<compile_context>
chip_gen: v7x
topology: tpu7x:2x2x1
jax: 0.10.2.dev20260603
libtpu: 0.0.44.dev20260713+nightly
codegen_flags: <defaults>
</compile_context>

<pallas_src>
import dataclasses

import jax
import jax.numpy as jnp
from jax import lax
from jax.experimental import pallas as pl
from jax.experimental.pallas import tpu as pltpu
from jax.experimental.pallas import tpu_sc as plsc

HOP = 128
FFT = 4096
NUM_LABELS = 128
SEQ = 32768
PAD = FFT // 2
OUT_T = 257
BATCH = 8
WORKERS_PER_BATCH = 4
NUM_WORKERS = BATCH * WORKERS_PER_BATCH
SPAN = 12288
RES_PAD = 80
LANES = 16
GROUPS = HOP // LANES
HCOPIES = 4


def _sc_compiler_params():
    cp = pltpu.CompilerParams()
    if "needs_layout_passes" in pltpu.CompilerParams.__dataclass_fields__:
        cp = dataclasses.replace(cp, needs_layout_passes=False)
    return cp


def _label_argmax_sc(lbl_flat):
    mesh = plsc.VectorSubcoreMesh(core_axis_name="c", subcore_axis_name="s")

    @pl.kernel(
        out_type=jax.ShapeDtypeStruct((NUM_WORKERS, RES_PAD), jnp.int32),
        mesh=mesh,
        scratch_types=[
            pltpu.VMEM((SPAN,), jnp.int32),
            pltpu.VMEM((HCOPIES * NUM_LABELS,), jnp.int32),
            pltpu.VMEM((RES_PAD,), jnp.int32),
        ],
        compiler_params=_sc_compiler_params(),
    )
    def k(lbl_hbm, out_hbm, lbl_v, hist_v, res_v):
        wid = lax.axis_index("c") * 16 + lax.axis_index("s")
        b = wid // WORKERS_PER_BATCH
        q = wid % WORKERS_PER_BATCH

        s_off = jnp.clip(q * 8192 - PAD, 0, SEQ - SPAN)
        dma_off = pl.multiple_of(b * SEQ + s_off, PAD)
        pltpu.sync_copy(lbl_hbm.at[pl.ds(dma_off, SPAN)], lbl_v)

        lane_iota = lax.iota(jnp.int32, LANES)
        top_lane = lane_iota == LANES - 1
        lane0 = lane_iota == 0
        ones = jnp.full((LANES,), 1, jnp.int32)
        neg_ones = jnp.full((LANES,), -1, jnp.int32)
        is_q0 = q == 0
        copy_offs = [jnp.full((LANES,), c * NUM_LABELS, jnp.int32)
                     for c in range(HCOPIES)]
        key_offs = [
            jnp.full((LANES,), NUM_LABELS - 1 - j * LANES, jnp.int32) - lane_iota
            for j in range(GROUPS)
        ]

        zeros16 = jnp.zeros((LANES,), jnp.int32)
        for j in range(HCOPIES * NUM_LABELS // LANES):
            hist_v[pl.ds(j * LANES, LANES)] = zeros16

        def scatter_batch(offs_signs):
            vs = [lbl_v[pl.ds(off, LANES)] for off, _ in offs_signs]
            scans = [plsc.scan_count(v) for v in vs]
            for p, ((_, sign), v, (cnt, last)) in enumerate(
                    zip(offs_signs, vs, scans)):
                plsc.addupdate_scatter(
                    hist_v, [v + copy_offs[p % HCOPIES]],
                    cnt if sign > 0 else -cnt, mask=last)
            return vs

        def argmax_store(slot):
            m = None
            for j in range(GROUPS):
                h01 = (hist_v[pl.ds(j * LANES, LANES)]
                       + hist_v[pl.ds(NUM_LABELS + j * LANES, LANES)])
                h23 = (hist_v[pl.ds(2 * NUM_LABELS + j * LANES, LANES)]
                       + hist_v[pl.ds(3 * NUM_LABELS + j * LANES, LANES)])
                key = (h01 + h23) * NUM_LABELS + key_offs[j]
                m = key if m is None else jnp.maximum(m, key)
            s = lax.sort(m)
            best = (NUM_LABELS - 1) - (s & (NUM_LABELS - 1))
            idx = jnp.full((LANES,), slot, jnp.int32)
            plsc.store_scatter(res_v, [idx], best, mask=top_lane)

        b_init = q * 8192 - PAD - s_off

        @pl.loop(0, FFT // HOP)
        def _(c):
            offs = []
            for j in range(GROUPS):
                g = c * GROUPS + j
                offs.append((jnp.where(is_q0, (g % (PAD // LANES)) * LANES,
                                       b_init + g * LANES), 1))
            scatter_batch(offs)

        mask_q0 = lane0 & is_q0
        v_lo = lbl_v[pl.ds(0, LANES)]
        v_hi = lbl_v[pl.ds(PAD, LANES)]
        plsc.addupdate_scatter(
            hist_v, [v_lo + copy_offs[0]], neg_ones, mask=mask_q0)
        plsc.addupdate_scatter(
            hist_v, [v_hi + copy_offs[1]], ones, mask=mask_q0)

        argmax_store(0)

        @pl.loop(0, 64)
        def _(i):
            c_sub = q * 64 + i
            c_add = c_sub + 32
            pad_l = c_sub < 16
            pad_r = c_add >= 272
            interior_sub = c_sub * HOP - PAD - s_off
            interior_add = c_add * HOP - PAD - s_off
            ab_sub = jnp.where(pad_l, 1920 - HOP * c_sub, interior_sub)
            ab_add = jnp.where(pad_r, 46976 - HOP * c_add, interior_add)

            sub0 = lbl_v[pl.ds(ab_sub, LANES)]
            x_sub = lbl_v[pl.ds(ab_sub + HOP, LANES)]
            x_add = lbl_v[pl.ds(ab_add - LANES, LANES)]
            add7 = lbl_v[pl.ds(ab_add + HOP - LANES, LANES)]

            m_l = lane0 & pad_l
            m_r = top_lane & pad_r
            plsc.addupdate_scatter(
                hist_v, [sub0 + copy_offs[0]], ones, mask=m_l)
            plsc.addupdate_scatter(
                hist_v, [x_sub + copy_offs[1]], neg_ones, mask=m_l)
            plsc.addupdate_scatter(
                hist_v, [x_add + copy_offs[2]], ones, mask=m_r)
            plsc.addupdate_scatter(
                hist_v, [add7 + copy_offs[3]], neg_ones, mask=m_r)

            offs_signs = []
            for j in range(GROUPS):
                offs_signs.append((ab_sub + j * LANES, -1))
                offs_signs.append((ab_add + j * LANES, 1))
            scatter_batch(offs_signs)

            argmax_store(i + 1)

        pl.delay(100)
        pltpu.sync_copy(res_v, out_hbm.at[wid])

    return k(lbl_flat)


def kernel(lbl, W):
    del W
    res = _label_argmax_sc(lbl.reshape(-1))
    res = res.reshape(BATCH, WORKERS_PER_BATCH, RES_PAD)
    return jnp.concatenate(
        [res[:, 0, :64], res[:, 1, :64], res[:, 2, :64], res[:, 3, :65]],
        axis=1)

# --- scband reference (transcript-rebuilt; emitter-appended) ---
"""Pipeline reference for scband-label-comp-75600014344330 (READ-ONLY COPY).

The authoritative reference and input builder live on the scoring server;
editing this copy changes nothing except your own understanding.
"""

import jax, jax.numpy as jnp
import numpy as np

HOP = 128
FFT = 4096
NUM_LABELS = 128


def setup_inputs(seed: int = 0) -> dict:
    key = jax.random.key(seed)
    lbl = jax.random.randint(key, (8, 32768), 0, NUM_LABELS, dtype=jnp.int32)
    # frozen conv_sum weight: ones of shape (out_ch=1, in_ch=1, kh=1, kw=FFT)
    W = jnp.ones((1, 1, 1, FFT), dtype=jnp.float32)
    return {"lbl": lbl, "W": W}


def _conv_out(lbl, W):
    # lbl.float().unsqueeze(1)
    x = lbl.astype(jnp.float32)[:, None, :]
    # ReflectionPad1d(fft_size // 2)
    p = FFT // 2
    x = jnp.pad(x, ((0, 0), (0, 0), (p, p)), mode='reflect')
    B, _, L = x.shape
    # one-hot via scatter-overwrite: zeros.scatter_(1, lbl.long(), 1)
    idx = x.astype(jnp.int32)  # [B, 1, L]
    one_hot = jnp.zeros((B, NUM_LABELS, L), dtype=jnp.float32)
    b_idx = jnp.arange(B)[:, None, None]
    t_idx = jnp.arange(L)[None, None, :]
    one_hot = one_hot.at[b_idx, idx, t_idx].set(1.0)
    # Conv2d(1,1,kernel=(1,FFT),stride=(1,HOP),bias=False) with all-ones weight
    conv = jax.lax.conv_general_dilated(
        one_hot[:, None, :, :], W,
        window_strides=(1, HOP), padding='VALID',
        dimension_numbers=('NCHW', 'OIHW', 'NCHW'))
    return conv[:, 0]  # [B, NUM_LABELS, out_T]


def reference(lbl, W):
    lbl_comp = _conv_out(lbl, W)
    # argmax over label axis -> majority label per frame
    return jnp.argmax(lbl_comp, axis=1)

if __name__ == "__main__":
    import jax
    _d = setup_inputs()
    print(jax.jit(kernel)(*tuple(_d.values())))

</pallas_src>

<mosaic_0001>
#map = affine_map<(d0, d1) -> (0)>
#map1 = affine_map<(d0, d1) -> (0, 0)>
module attributes {stable_mosaic.version = 14 : i64} {
  func.func @k(%arg0: i32, %arg1: i32, %arg2: memref<262144xi32, #tpu.memory_space<hbm>>, %arg3: memref<32x80xi32, #tpu.memory_space<hbm>>, %arg4: memref<12288xi32, #tpu.memory_space<vmem>>, %arg5: memref<512xi32, #tpu.memory_space<vmem>>, %arg6: memref<80xi32, #tpu.memory_space<vmem>>) attributes {dimension_semantics = [#tpu.dimension_semantics<core_parallel>, #tpu.dimension_semantics<subcore_parallel>], iteration_bounds = array<i64: 2, 16>, scalar_prefetch = 0 : i64, scratch_operands = 3 : i64, tpu.core_type = #tpu.core_type<sc_vector_subcore>, window_params = [{transform_indices = #map}, {transform_indices = #map1}]} {
    %mul3A = arith.constant 16 : i32
    %mul3A_0 = arith.muli %arg0, %mul3A : i32
    %add3A = arith.addi %mul3A_0, %arg1 : i32
    %jit3A = arith.constant 4 : i32
    %div3A = arith.divsi %add3A, %jit3A : i32
    %sign3A = arith.constant 0 : i32
    %sign3A_1 = arith.cmpi sgt, %add3A, %sign3A : i32
    %sign3A_2 = arith.extui %sign3A_1 : i1 to i32
    %sign3A_3 = arith.constant 0 : i32
    %sign3A_4 = arith.cmpi slt, %add3A, %sign3A_3 : i32
    %sign3A_5 = arith.extui %sign3A_4 : i1 to i32
    %sign3A_6 = arith.subi %sign3A_2, %sign3A_5 : i32
    %sign3A_7 = arith.constant 0 : i32
    %sign3A_8 = arith.cmpi sgt, %jit3A, %sign3A_7 : i32
    %sign3A_9 = arith.extui %sign3A_8 : i1 to i32
    %sign3A_10 = arith.constant 0 : i32
    %sign3A_11 = arith.cmpi slt, %jit3A, %sign3A_10 : i32
    %sign3A_12 = arith.extui %sign3A_11 : i1 to i32
    %sign3A_13 = arith.subi %sign3A_9, %sign3A_12 : i32
    %ne3A = arith.cmpi ne, %sign3A_6, %sign3A_13 : i32
    %rem3A = arith.remsi %add3A, %jit3A : i32
    %ne3A_14 = arith.constant 0 : i32
    %ne3A_15 = arith.cmpi ne, %rem3A, %ne3A_14 : i32
    %and3A = arith.andi %ne3A, %ne3A_15 : i1
    %sub3A = arith.constant 1 : i32
    %sub3A_16 = arith.subi %div3A, %sub3A : i32
    %select_n3A = arith.select %and3A, %sub3A_16, %div3A : i32
    %jit3A_17 = arith.constant 4 : i32
    %eq3A = arith.constant 0 : i32
    %eq3A_18 = arith.cmpi eq, %jit3A_17, %eq3A : i32
    %jit3A_19 = arith.constant 1 : i32
    %select_n3A_20 = arith.select %eq3A_18, %jit3A_19, %jit3A_17 : i32
    %rem3A_21 = arith.remsi %add3A, %select_n3A_20 : i32
    %ne3A_22 = arith.constant 0 : i32
    %ne3A_23 = arith.cmpi ne, %rem3A_21, %ne3A_22 : i32
    %lt3A = arith.constant 0 : i32
    %lt3A_24 = arith.cmpi slt, %rem3A_21, %lt3A : i32
    %lt3A_25 = arith.constant 0 : i32
    %lt3A_26 = arith.cmpi slt, %select_n3A_20, %lt3A_25 : i32
    %ne3A_27 = arith.xori %lt3A_24, %lt3A_26 : i1
    %and3A_28 = arith.andi %ne3A_27, %ne3A_23 : i1
    %add3A_29 = arith.addi %rem3A_21, %select_n3A_20 : i32
    %select_n3A_30 = arith.select %and3A_28, %add3A_29, %rem3A_21 : i32
    %mul3A_31 = arith.constant 8192 : i32
    %mul3A_32 = arith.muli %select_n3A_30, %mul3A_31 : i32
    %sub3A_33 = arith.constant 2048 : i32
    %sub3A_34 = arith.subi %mul3A_32, %sub3A_33 : i32
    %jit3A_35 = arith.constant 0 : i32
    %jit3A_36 = arith.constant 20480 : i32
    %max3A = arith.maxsi %jit3A_35, %sub3A_34 : i32
    %min3A = arith.minsi %jit3A_36, %max3A : i32
    %mul3A_37 = arith.constant 32768 : i32
    %mul3A_38 = arith.muli %select_n3A, %mul3A_37 : i32
    %add3A_39 = arith.addi %mul3A_38, %min3A : i32
    %multiple_of3A = tpu.assume_multiple %add3A_39, 2048 : i32
    "tpu.region"() ({
      %run_scoped3A = tpu.sem_alloc : memref<!tpu.dma_semaphore, #tpu.memory_space<semaphore_mem>>
      %dma_start3A = tpu.memref_slice %arg2[%multiple_of3A] : memref<262144xi32, #tpu.memory_space<hbm>> -> memref<12288xi32, #tpu.memory_space<hbm>>
      %dma_start3A_307 = tpu.memref_slice %arg2[%multiple_of3A] : memref<262144xi32, #tpu.memory_space<hbm>> -> memref<12288xi32, #tpu.memory_space<hbm>>
      tpu.enqueue_dma source(%dma_start3A_307 : memref<12288xi32, #tpu.memory_space<hbm>>) target(%arg4 : memref<12288xi32, #tpu.memory_space<vmem>>) target_semaphore(%run_scoped3A : memref<!tpu.dma_semaphore, #tpu.memory_space<semaphore_mem>>)
      %dma_wait3A = tpu.memref_slice %arg2[%multiple_of3A] : memref<262144xi32, #tpu.memory_space<hbm>> -> memref<12288xi32, #tpu.memory_space<hbm>>
      %dma_wait3A_308 = tpu.memref_slice %arg2[%multiple_of3A] : memref<262144xi32, #tpu.memory_space<hbm>> -> memref<12288xi32, #tpu.memory_space<hbm>>
      tpu.wait_dma2 semaphore(%run_scoped3A : memref<!tpu.dma_semaphore, #tpu.memory_space<semaphore_mem>>) src(%dma_wait3A_308 : memref<12288xi32, #tpu.memory_space<hbm>>) dst(%arg4 : memref<12288xi32, #tpu.memory_space<vmem>>)
      tpu.yield
    }) : () -> ()
    %iota3A = tpu.iota {dimensions = array<i32: 0>} : vector<16xi32>
    %eq3A_40 = arith.constant 15 : i32
    %eq3A_41 = vector.broadcast %eq3A_40 : i32 to vector<16xi32>
    %eq3A_42 = arith.cmpi eq, %iota3A, %eq3A_41 : vector<16xi32>
    %eq3A_43 = arith.constant 0 : i32
    %eq3A_44 = vector.broadcast %eq3A_43 : i32 to vector<16xi32>
    %eq3A_45 = arith.cmpi eq, %iota3A, %eq3A_44 : vector<16xi32>
    %broadcast_in_dim3A = arith.constant 1 : i32
    %broadcast_in_dim3A_46 = vector.broadcast %broadcast_in_dim3A : i32 to vector<16xi32>
    %broadcast_in_dim3A_47 = arith.constant -1 : i32
    %broadcast_in_dim3A_48 = vector.broadcast %broadcast_in_dim3A_47 : i32 to vector<16xi32>
    %eq3A_49 = arith.constant 0 : i32
    %eq3A_50 = arith.cmpi eq, %select_n3A_30, %eq3A_49 : i32
    %broadcast_in_dim3A_51 = arith.constant 0 : i32
    %broadcast_in_dim3A_52 = vector.broadcast %broadcast_in_dim3A_51 : i32 to vector<16xi32>
    %broadcast_in_dim3A_53 = arith.constant 128 : i32
    %broadcast_in_dim3A_54 = vector.broadcast %broadcast_in_dim3A_53 : i32 to vector<16xi32>
    %broadcast_in_dim3A_55 = arith.constant 256 : i32
    %broadcast_in_dim3A_56 = vector.broadcast %broadcast_in_dim3A_55 : i32 to vector<16xi32>
    %broadcast_in_dim3A_57 = arith.constant 384 : i32
    %broadcast_in_dim3A_58 = vector.broadcast %broadcast_in_dim3A_57 : i32 to vector<16xi32>
    %broadcast_in_dim3A_59 = arith.constant 127 : i32
    %broadcast_in_dim3A_60 = vector.broadcast %broadcast_in_dim3A_59 : i32 to vector<16xi32>
    %sub3A_61 = arith.subi %broadcast_in_dim3A_60, %iota3A : vector<16xi32>
    %broadcast_in_dim3A_62 = arith.constant 111 : i32
    %broadcast_in_dim3A_63 = vector.broadcast %broadcast_in_dim3A_62 : i32 to vector<16xi32>
    %sub3A_64 = arith.subi %broadcast_in_dim3A_63, %iota3A : vector<16xi32>
    %broadcast_in_dim3A_65 = arith.constant 95 : i32
    %broadcast_in_dim3A_66 = vector.broadcast %broadcast_in_dim3A_65 : i32 to vector<16xi32>
    %sub3A_67 = arith.subi %broadcast_in_dim3A_66, %iota3A : vector<16xi32>
    %broadcast_in_dim3A_68 = arith.constant 79 : i32
    %broadcast_in_dim3A_69 = vector.broadcast %broadcast_in_dim3A_68 : i32 to vector<16xi32>
    %sub3A_70 = arith.subi %broadcast_in_dim3A_69, %iota3A : vector<16xi32>
    %broadcast_in_dim3A_71 = arith.constant 63 : i32
    %broadcast_in_dim3A_72 = vector.broadcast %broadcast_in_dim3A_71 : i32 to vector<16xi32>
    %sub3A_73 = arith.subi %broadcast_in_dim3A_72, %iota3A : vector<16xi32>
    %broadcast_in_dim3A_74 = arith.constant 47 : i32
    %broadcast_in_dim3A_75 = vector.broadcast %broadcast_in_dim3A_74 : i32 to vector<16xi32>
    %sub3A_76 = arith.subi %broadcast_in_dim3A_75, %iota3A : vector<16xi32>
    %broadcast_in_dim3A_77 = arith.constant 31 : i32
    %broadcast_in_dim3A_78 = vector.broadcast %broadcast_in_dim3A_77 : i32 to vector<16xi32>
    %sub3A_79 = arith.subi %broadcast_in_dim3A_78, %iota3A : vector<16xi32>
    %broadcast_in_dim3A_80 = arith.constant 15 : i32
    %broadcast_in_dim3A_81 = vector.broadcast %broadcast_in_dim3A_80 : i32 to vector<16xi32>
    %sub3A_82 = arith.subi %broadcast_in_dim3A_81, %iota3A : vector<16xi32>
    %broadcast_in_dim3A_83 = arith.constant 0 : i32
    %broadcast_in_dim3A_84 = vector.broadcast %broadcast_in_dim3A_83 : i32 to vector<16xi32>
    %swap3A = arith.constant 0 : index
    %swap3A_85 = tpu.vector_load %arg5[%swap3A] {strides = array<i32>} : memref<512xi32, #tpu.memory_space<vmem>>, vector<16xi32>,
    tpu.vector_store %arg5[%swap3A], %broadcast_in_dim3A_84 {strides = array<i32>} : memref<512xi32, #tpu.memory_space<vmem>>, vector<16xi32>,
    %swap3A_86 = arith.constant 16 : index
    %swap3A_87 = tpu.vector_load %arg5[%swap3A_86] {strides = array<i32>} : memref<512xi32, #tpu.memory_space<vmem>>, vector<16xi32>,
    tpu.vector_store %arg5[%swap3A_86], %broadcast_in_dim3A_84 {strides = array<i32>} : memref<512xi32, #tpu.memory_space<vmem>>, vector<16xi32>,
    %swap3A_88 = arith.constant 32 : index
    %swap3A_89 = tpu.vector_load %arg5[%swap3A_88] {strides = array<i32>} : memref<512xi32, #tpu.memory_space<vmem>>, vector<16xi32>,
    tpu.vector_store %arg5[%swap3A_88], %broadcast_in_dim3A_84 {strides = array<i32>} : memref<512xi32, #tpu.memory_space<vmem>>, vector<16xi32>,
    %swap3A_90 = arith.constant 48 : index
    %swap3A_91 = tpu.vector_load %arg5[%swap3A_90] {strides = array<i32>} : memref<512xi32, #tpu.memory_space<vmem>>, vector<16xi32>,
    tpu.vector_store %arg5[%swap3A_90], %broadcast_in_dim3A_84 {strides = array<i32>} : memref<512xi32, #tpu.memory_space<vmem>>, vector<16xi32>,
    %swap3A_92 = arith.constant 64 : index
    %swap3A_93 = tpu.vector_load %arg5[%swap3A_92] {strides = array<i32>} : memref<512xi32, #tpu.memory_space<vmem>>, vector<16xi32>,
    tpu.vector_store %arg5[%swap3A_92], %broadcast_in_dim3A_84 {strides = array<i32>} : memref<512xi32, #tpu.memory_space<vmem>>, vector<16xi32>,
    %swap3A_94 = arith.constant 80 : index
    %swap3A_95 = tpu.vector_load %arg5[%swap3A_94] {strides = array<i32>} : memref<512xi32, #tpu.memory_space<vmem>>, vector<16xi32>,
    tpu.vector_store %arg5[%swap3A_94], %broadcast_in_dim3A_84 {strides = array<i32>} : memref<512xi32, #tpu.memory_space<vmem>>, vector<16xi32>,
    %swap3A_96 = arith.constant 96 : index
    %swap3A_97 = tpu.vector_load %arg5[%swap3A_96] {strides = array<i32>} : memref<512xi32, #tpu.memory_space<vmem>>, vector<16xi32>,
    tpu.vector_store %arg5[%swap3A_96], %broadcast_in_dim3A_84 {strides = array<i32>} : memref<512xi32, #tpu.memory_space<vmem>>, vector<16xi32>,
    %swap3A_98 = arith.constant 112 : index
    %swap3A_99 = tpu.vector_load %arg5[%swap3A_98] {strides = array<i32>} : memref<512xi32, #tpu.memory_space<vmem>>, vector<16xi32>,
    tpu.vector_store %arg5[%swap3A_98], %broadcast_in_dim3A_84 {strides = array<i32>} : memref<512xi32, #tpu.memory_space<vmem>>, vector<16xi32>,
    %swap3A_100 = arith.constant 128 : index
    %swap3A_101 = tpu.vector_load %arg5[%swap3A_100] {strides = array<i32>} : memref<512xi32, #tpu.memory_space<vmem>>, vector<16xi32>,
    tpu.vector_store %arg5[%swap3A_100], %broadcast_in_dim3A_84 {strides = array<i32>} : memref<512xi32, #tpu.memory_space<vmem>>, vector<16xi32>,
    %swap3A_102 = arith.constant 144 : index
    %swap3A_103 = tpu.vector_load %arg5[%swap3A_102] {strides = array<i32>} : memref<512xi32, #tpu.memory_space<vmem>>, vector<16xi32>,
    tpu.vector_store %arg5[%swap3A_102], %broadcast_in_dim3A_84 {strides = array<i32>} : memref<512xi32, #tpu.memory_space<vmem>>, vector<16xi32>,
    %swap3A_104 = arith.constant 160 : index
    %swap3A_105 = tpu.vector_load %arg5[%swap3A_104] {strides = array<i32>} : memref<512xi32, #tpu.memory_space<vmem>>, vector<16xi32>,
    tpu.vector_store %arg5[%swap3A_104], %broadcast_in_dim3A_84 {strides = array<i32>} : memref<512xi32, #tpu.memory_space<vmem>>, vector<16xi32>,
    %swap3A_106 = arith.constant 176 : index
    %swap3A_107 = tpu.vector_load %arg5[%swap3A_106] {strides = array<i32>} : memref<512xi32, #tpu.memory_space<vmem>>, vector<16xi32>,
    tpu.vector_store %arg5[%swap3A_106], %broadcast_in_dim3A_84 {strides = array<i32>} : memref<512xi32, #tpu.memory_space<vmem>>, vector<16xi32>,
    %swap3A_108 = arith.constant 192 : index
    %swap3A_109 = tpu.vector_load %arg5[%swap3A_108] {strides = array<i32>} : memref<512xi32, #tpu.memory_space<vmem>>, vector<16xi32>,
    tpu.vector_store %arg5[%swap3A_108], %broadcast_in_dim3A_84 {strides = array<i32>} : memref<512xi32, #tpu.memory_space<vmem>>, vector<16xi32>,
    %swap3A_110 = arith.constant 208 : index
    %swap3A_111 = tpu.vector_load %arg5[%swap3A_110] {strides = array<i32>} : memref<512xi32, #tpu.memory_space<vmem>>, vector<16xi32>,
    tpu.vector_store %arg5[%swap3A_110], %broadcast_in_dim3A_84 {strides = array<i32>} : memref<512xi32, #tpu.memory_space<vmem>>, vector<16xi32>,
    %swap3A_112 = arith.constant 224 : index
    %swap3A_113 = tpu.vector_load %arg5[%swap3A_112] {strides = array<i32>} : memref<512xi32, #tpu.memory_space<vmem>>, vector<16xi32>,
    tpu.vector_store %arg5[%swap3A_112], %broadcast_in_dim3A_84 {strides = array<i32>} : memref<512xi32, #tpu.memory_space<vmem>>, vector<16xi32>,
    %swap3A_114 = arith.constant 240 : index
    %swap3A_115 = tpu.vector_load %arg5[%swap3A_114] {strides = array<i32>} : memref<512xi32, #tpu.memory_space<vmem>>, vector<16xi32>,
    tpu.vector_store %arg5[%swap3A_114], %broadcast_in_dim3A_84 {strides = array<i32>} : memref<512xi32, #tpu.memory_space<vmem>>, vector<16xi32>,
    %swap3A_116 = arith.constant 256 : index
    %swap3A_117 = tpu.vector_load %arg5[%swap3A_116] {strides = array<i32>} : memref<512xi32, #tpu.memory_space<vmem>>, vector<16xi32>,
    tpu.vector_store %arg5[%swap3A_116], %broadcast_in_dim3A_84 {strides = array<i32>} : memref<512xi32, #tpu.memory_space<vmem>>, vector<16xi32>,
    %swap3A_118 = arith.constant 272 : index
    %swap3A_119 = tpu.vector_load %arg5[%swap3A_118] {strides = array<i32>} : memref<512xi32, #tpu.memory_space<vmem>>, vector<16xi32>,
    tpu.vector_store %arg5[%swap3A_118], %broadcast_in_dim3A_84 {strides = array<i32>} : memref<512xi32, #tpu.memory_space<vmem>>, vector<16xi32>,
    %swap3A_120 = arith.constant 288 : index
    %swap3A_121 = tpu.vector_load %arg5[%swap3A_120] {strides = array<i32>} : memref<512xi32, #tpu.memory_space<vmem>>, vector<16xi32>,
    tpu.vector_store %arg5[%swap3A_120], %broadcast_in_dim3A_84 {strides = array<i32>} : memref<512xi32, #tpu.memory_space<vmem>>, vector<16xi32>,
    %swap3A_122 = arith.constant 304 : index
    %swap3A_123 = tpu.vector_load %arg5[%swap3A_122] {strides = array<i32>} : memref<512xi32, #tpu.memory_space<vmem>>, vector<16xi32>,
    tpu.vector_store %arg5[%swap3A_122], %broadcast_in_dim3A_84 {strides = array<i32>} : memref<512xi32, #tpu.memory_space<vmem>>, vector<16xi32>,
    %swap3A_124 = arith.constant 320 : index
    %swap3A_125 = tpu.vector_load %arg5[%swap3A_124] {strides = array<i32>} : memref<512xi32, #tpu.memory_space<vmem>>, vector<16xi32>,
    tpu.vector_store %arg5[%swap3A_124], %broadcast_in_dim3A_84 {strides = array<i32>} : memref<512xi32, #tpu.memory_space<vmem>>, vector<16xi32>,
    %swap3A_126 = arith.constant 336 : index
    %swap3A_127 = tpu.vector_load %arg5[%swap3A_126] {strides = array<i32>} : memref<512xi32, #tpu.memory_space<vmem>>, vector<16xi32>,
    tpu.vector_store %arg5[%swap3A_126], %broadcast_in_dim3A_84 {strides = array<i32>} : memref<512xi32, #tpu.memory_space<vmem>>, vector<16xi32>,
    %swap3A_128 = arith.constant 352 : index
    %swap3A_129 = tpu.vector_load %arg5[%swap3A_128] {strides = array<i32>} : memref<512xi32, #tpu.memory_space<vmem>>, vector<16xi32>,
    tpu.vector_store %arg5[%swap3A_128], %broadcast_in_dim3A_84 {strides = array<i32>} : memref<512xi32, #tpu.memory_space<vmem>>, vector<16xi32>,
    %swap3A_130 = arith.constant 368 : index
    %swap3A_131 = tpu.vector_load %arg5[%swap3A_130] {strides = array<i32>} : memref<512xi32, #tpu.memory_space<vmem>>, vector<16xi32>,
    tpu.vector_store %arg5[%swap3A_130], %broadcast_in_dim3A_84 {strides = array<i32>} : memref<512xi32, #tpu.memory_space<vmem>>, vector<16xi32>,
    %swap3A_132 = arith.constant 384 : index
    %swap3A_133 = tpu.vector_load %arg5[%swap3A_132] {strides = array<i32>} : memref<512xi32, #tpu.memory_space<vmem>>, vector<16xi32>,
    tpu.vector_store %arg5[%swap3A_132], %broadcast_in_dim3A_84 {strides = array<i32>} : memref<512xi32, #tpu.memory_space<vmem>>, vector<16xi32>,
    %swap3A_134 = arith.constant 400 : index
    %swap3A_135 = tpu.vector_load %arg5[%swap3A_134] {strides = array<i32>} : memref<512xi32, #tpu.memory_space<vmem>>, vector<16xi32>,
    tpu.vector_store %arg5[%swap3A_134], %broadcast_in_dim3A_84 {strides = array<i32>} : memref<512xi32, #tpu.memory_space<vmem>>, vector<16xi32>,
    %swap3A_136 = arith.constant 416 : index
    %swap3A_137 = tpu.vector_load %arg5[%swap3A_136] {strides = array<i32>} : memref<512xi32, #tpu.memory_space<vmem>>, vector<16xi32>,
    tpu.vector_store %arg5[%swap3A_136], %broadcast_in_dim3A_84 {strides = array<i32>} : memref<512xi32, #tpu.memory_space<vmem>>, vector<16xi32>,
    %swap3A_138 = arith.constant 432 : index
    %swap3A_139 = tpu.vector_load %arg5[%swap3A_138] {strides = array<i32>} : memref<512xi32, #tpu.memory_space<vmem>>, vector<16xi32>,
    tpu.vector_store %arg5[%swap3A_138], %broadcast_in_dim3A_84 {strides = array<i32>} : memref<512xi32, #tpu.memory_space<vmem>>, vector<16xi32>,
    %swap3A_140 = arith.constant 448 : index
    %swap3A_141 = tpu.vector_load %arg5[%swap3A_140] {strides = array<i32>} : memref<512xi32, #tpu.memory_space<vmem>>, vector<16xi32>,
    tpu.vector_store %arg5[%swap3A_140], %broadcast_in_dim3A_84 {strides = array<i32>} : memref<512xi32, #tpu.memory_space<vmem>>, vector<16xi32>,
    %swap3A_142 = arith.constant 464 : index
    %swap3A_143 = tpu.vector_load %arg5[%swap3A_142] {strides = array<i32>} : memref<512xi32, #tpu.memory_space<vmem>>, vector<16xi32>,
    tpu.vector_store %arg5[%swap3A_142], %broadcast_in_dim3A_84 {strides = array<i32>} : memref<512xi32, #tpu.memory_space<vmem>>, vector<16xi32>,
    %swap3A_144 = arith.constant 480 : index
    %swap3A_145 = tpu.vector_load %arg5[%swap3A_144] {strides = array<i32>} : memref<512xi32, #tpu.memory_space<vmem>>, vector<16xi32>,
    tpu.vector_store %arg5[%swap3A_144], %broadcast_in_dim3A_84 {strides = array<i32>} : memref<512xi32, #tpu.memory_space<vmem>>, vector<16xi32>,
    %swap3A_146 = arith.constant 496 : index
    %swap3A_147 = tpu.vector_load %arg5[%swap3A_146] {strides = array<i32>} : memref<512xi32, #tpu.memory_space<vmem>>, vector<16xi32>,
    tpu.vector_store %arg5[%swap3A_146], %broadcast_in_dim3A_84 {strides = array<i32>} : memref<512xi32, #tpu.memory_space<vmem>>, vector<16xi32>,
    %mul3A_148 = arith.constant 8192 : i32
    %mul3A_149 = arith.muli %select_n3A_30, %mul3A_148 : i32
    %sub3A_150 = arith.constant 2048 : i32
    %sub3A_151 = arith.subi %mul3A_149, %sub3A_150 : i32
    %sub3A_152 = arith.subi %sub3A_151, %min3A : i32
    %scan3A = arith.constant 0 : i32
    %scan3A_153 = arith.constant 32 : i32
    %scan3A_154 = arith.addi %scan3A, %scan3A_153 : i32
    %scan3A_155 = arith.constant 1 : i32
    scf.for %scan3A_307 = %scan3A to %scan3A_154 step %scan3A_155  : i32 {
      %mul3A_308 = arith.constant 1 : i32
      %mul3A_309 = arith.muli %scan3A_307, %mul3A_308 : i32
      %add3A_310 = arith.constant 0 : i32
      %add3A_311 = arith.addi %add3A_310, %mul3A_309 : i32
      %mul3A_312 = arith.constant 8 : i32
      %mul3A_313 = arith.muli %add3A_311, %mul3A_312 : i32
      %add3A_314 = arith.constant 0 : i32
      %add3A_315 = arith.addi %mul3A_313, %add3A_314 : i32
      %jit3A_316 = arith.constant 128 : i32
      %eq3A_317 = arith.constant 0 : i32
      %eq3A_318 = arith.cmpi eq, %jit3A_316, %eq3A_317 : i32
      %jit3A_319 = arith.constant 1 : i32
      %select_n3A_320 = arith.select %eq3A_318, %jit3A_319, %jit3A_316 : i32
      %rem3A_321 = arith.remsi %add3A_315, %select_n3A_320 : i32
      %ne3A_322 = arith.constant 0 : i32
      %ne3A_323 = arith.cmpi ne, %rem3A_321, %ne3A_322 : i32
      %lt3A_324 = arith.constant 0 : i32
      %lt3A_325 = arith.cmpi slt, %rem3A_321, %lt3A_324 : i32
      %lt3A_326 = arith.constant 0 : i32
      %lt3A_327 = arith.cmpi slt, %select_n3A_320, %lt3A_326 : i32
      %ne3A_328 = arith.xori %lt3A_325, %lt3A_327 : i1
      %and3A_329 = arith.andi %ne3A_328, %ne3A_323 : i1
      %add3A_330 = arith.addi %rem3A_321, %select_n3A_320 : i32
      %select_n3A_331 = arith.select %and3A_329, %add3A_330, %rem3A_321 : i32
      %mul3A_332 = arith.constant 16 : i32
      %mul3A_333 = arith.muli %select_n3A_331, %mul3A_332 : i32
      %mul3A_334 = arith.constant 16 : i32
      %mul3A_335 = arith.muli %add3A_315, %mul3A_334 : i32
      %add3A_336 = arith.addi %sub3A_152, %mul3A_335 : i32
      %select_n3A_337 = arith.select %eq3A_50, %mul3A_333, %add3A_336 : i32
      %mul3A_338 = arith.constant 8 : i32
      %mul3A_339 = arith.muli %add3A_311, %mul3A_338 : i32
      %add3A_340 = arith.constant 1 : i32
      %add3A_341 = arith.addi %mul3A_339, %add3A_340 : i32
      %jit3A_342 = arith.constant 128 : i32
      %eq3A_343 = arith.constant 0 : i32
      %eq3A_344 = arith.cmpi eq, %jit3A_342, %eq3A_343 : i32
      %jit3A_345 = arith.constant 1 : i32
      %select_n3A_346 = arith.select %eq3A_344, %jit3A_345, %jit3A_342 : i32
      %rem3A_347 = arith.remsi %add3A_341, %select_n3A_346 : i32
      %ne3A_348 = arith.constant 0 : i32
      %ne3A_349 = arith.cmpi ne, %rem3A_347, %ne3A_348 : i32
      %lt3A_350 = arith.constant 0 : i32
      %lt3A_351 = arith.cmpi slt, %rem3A_347, %lt3A_350 : i32
      %lt3A_352 = arith.constant 0 : i32
      %lt3A_353 = arith.cmpi slt, %select_n3A_346, %lt3A_352 : i32
      %ne3A_354 = arith.xori %lt3A_351, %lt3A_353 : i1
      %and3A_355 = arith.andi %ne3A_354, %ne3A_349 : i1
      %add3A_356 = arith.addi %rem3A_347, %select_n3A_346 : i32
      %select_n3A_357 = arith.select %and3A_355, %add3A_356, %rem3A_347 : i32
      %mul3A_358 = arith.constant 16 : i32
      %mul3A_359 = arith.muli %select_n3A_357, %mul3A_358 : i32
      %mul3A_360 = arith.constant 16 : i32
      %mul3A_361 = arith.muli %add3A_341, %mul3A_360 : i32
      %add3A_362 = arith.addi %sub3A_152, %mul3A_361 : i32
      %select_n3A_363 = arith.select %eq3A_50, %mul3A_359, %add3A_362 : i32
      %mul3A_364 = arith.constant 8 : i32
      %mul3A_365 = arith.muli %add3A_311, %mul3A_364 : i32
      %add3A_366 = arith.constant 2 : i32
      %add3A_367 = arith.addi %mul3A_365, %add3A_366 : i32
      %jit3A_368 = arith.constant 128 : i32
      %eq3A_369 = arith.constant 0 : i32
      %eq3A_370 = arith.cmpi eq, %jit3A_368, %eq3A_369 : i32
      %jit3A_371 = arith.constant 1 : i32
      %select_n3A_372 = arith.select %eq3A_370, %jit3A_371, %jit3A_368 : i32
      %rem3A_373 = arith.remsi %add3A_367, %select_n3A_372 : i32
      %ne3A_374 = arith.constant 0 : i32
      %ne3A_375 = arith.cmpi ne, %rem3A_373, %ne3A_374 : i32
      %lt3A_376 = arith.constant 0 : i32
      %lt3A_377 = arith.cmpi slt, %rem3A_373, %lt3A_376 : i32
      %lt3A_378 = arith.constant 0 : i32
      %lt3A_379 = arith.cmpi slt, %select_n3A_372, %lt3A_378 : i32
      %ne3A_380 = arith.xori %lt3A_377, %lt3A_379 : i1
      %and3A_381 = arith.andi %ne3A_380, %ne3A_375 : i1
      %add3A_382 = arith.addi %rem3A_373, %select_n3A_372 : i32
      %select_n3A_383 = arith.select %and3A_381, %add3A_382, %rem3A_373 : i32
      %mul3A_384 = arith.constant 16 : i32
      %mul3A_385 = arith.muli %select_n3A_383, %mul3A_384 : i32
      %mul3A_386 = arith.constant 16 : i32
      %mul3A_387 = arith.muli %add3A_367, %mul3A_386 : i32
      %add3A_388 = arith.addi %sub3A_152, %mul3A_387 : i32
      %select_n3A_389 = arith.select %eq3A_50, %mul3A_385, %add3A_388 : i32
      %mul3A_390 = arith.constant 8 : i32
      %mul3A_391 = arith.muli %add3A_311, %mul3A_390 : i32
      %add3A_392 = arith.constant 3 : i32
      %add3A_393 = arith.addi %mul3A_391, %add3A_392 : i32
      %jit3A_394 = arith.constant 128 : i32
      %eq3A_395 = arith.constant 0 : i32
      %eq3A_396 = arith.cmpi eq, %jit3A_394, %eq3A_395 : i32
      %jit3A_397 = arith.constant 1 : i32
      %select_n3A_398 = arith.select %eq3A_396, %jit3A_397, %jit3A_394 : i32
      %rem3A_399 = arith.remsi %add3A_393, %select_n3A_398 : i32
      %ne3A_400 = arith.constant 0 : i32
      %ne3A_401 = arith.cmpi ne, %rem3A_399, %ne3A_400 : i32
      %lt3A_402 = arith.constant 0 : i32
      %lt3A_403 = arith.cmpi slt, %rem3A_399, %lt3A_402 : i32
      %lt3A_404 = arith.constant 0 : i32
      %lt3A_405 = arith.cmpi slt, %select_n3A_398, %lt3A_404 : i32
      %ne3A_406 = arith.xori %lt3A_403, %lt3A_405 : i1
      %and3A_407 = arith.andi %ne3A_406, %ne3A_401 : i1
      %add3A_408 = arith.addi %rem3A_399, %select_n3A_398 : i32
      %select_n3A_409 = arith.select %and3A_407, %add3A_408, %rem3A_399 : i32
      %mul3A_410 = arith.constant 16 : i32
      %mul3A_411 = arith.muli %select_n3A_409, %mul3A_410 : i32
      %mul3A_412 = arith.constant 16 : i32
      %mul3A_413 = arith.muli %add3A_393, %mul3A_412 : i32
      %add3A_414 = arith.addi %sub3A_152, %mul3A_413 : i32
      %select_n3A_415 = arith.select %eq3A_50, %mul3A_411, %add3A_414 : i32
      %mul3A_416 = arith.constant 8 : i32
      %mul3A_417 = arith.muli %add3A_311, %mul3A_416 : i32
      %add3A_418 = arith.constant 4 : i32
      %add3A_419 = arith.addi %mul3A_417, %add3A_418 : i32
      %jit3A_420 = arith.constant 128 : i32
      %eq3A_421 = arith.constant 0 : i32
      %eq3A_422 = arith.cmpi eq, %jit3A_420, %eq3A_421 : i32
      %jit3A_423 = arith.constant 1 : i32
      %select_n3A_424 = arith.select %eq3A_422, %jit3A_423, %jit3A_420 : i32
      %rem3A_425 = arith.remsi %add3A_419, %select_n3A_424 : i32
      %ne3A_426 = arith.constant 0 : i32
      %ne3A_427 = arith.cmpi ne, %rem3A_425, %ne3A_426 : i32
      %lt3A_428 = arith.constant 0 : i32
      %lt3A_429 = arith.cmpi slt, %rem3A_425, %lt3A_428 : i32
      %lt3A_430 = arith.constant 0 : i32
      %lt3A_431 = arith.cmpi slt, %select_n3A_424, %lt3A_430 : i32
      %ne3A_432 = arith.xori %lt3A_429, %lt3A_431 : i1
      %and3A_433 = arith.andi %ne3A_432, %ne3A_427 : i1
      %add3A_434 = arith.addi %rem3A_425, %select_n3A_424 : i32
      %select_n3A_435 = arith.select %and3A_433, %add3A_434, %rem3A_425 : i32
      %mul3A_436 = arith.constant 16 : i32
      %mul3A_437 = arith.muli %select_n3A_435, %mul3A_436 : i32
      %mul3A_438 = arith.constant 16 : i32
      %mul3A_439 = arith.muli %add3A_419, %mul3A_438 : i32
      %add3A_440 = arith.addi %sub3A_152, %mul3A_439 : i32
      %select_n3A_441 = arith.select %eq3A_50, %mul3A_437, %add3A_440 : i32
      %mul3A_442 = arith.constant 8 : i32
      %mul3A_443 = arith.muli %add3A_311, %mul3A_442 : i32
      %add3A_444 = arith.constant 5 : i32
      %add3A_445 = arith.addi %mul3A_443, %add3A_444 : i32
      %jit3A_446 = arith.constant 128 : i32
      %eq3A_447 = arith.constant 0 : i32
      %eq3A_448 = arith.cmpi eq, %jit3A_446, %eq3A_447 : i32
      %jit3A_449 = arith.constant 1 : i32
      %select_n3A_450 = arith.select %eq3A_448, %jit3A_449, %jit3A_446 : i32
      %rem3A_451 = arith.remsi %add3A_445, %select_n3A_450 : i32
      %ne3A_452 = arith.constant 0 : i32
      %ne3A_453 = arith.cmpi ne, %rem3A_451, %ne3A_452 : i32
      %lt3A_454 = arith.constant 0 : i32
      %lt3A_455 = arith.cmpi slt, %rem3A_451, %lt3A_454 : i32
      %lt3A_456 = arith.constant 0 : i32
      %lt3A_457 = arith.cmpi slt, %select_n3A_450, %lt3A_456 : i32
      %ne3A_458 = arith.xori %lt3A_455, %lt3A_457 : i1
      %and3A_459 = arith.andi %ne3A_458, %ne3A_453 : i1
      %add3A_460 = arith.addi %rem3A_451, %select_n3A_450 : i32
      %select_n3A_461 = arith.select %and3A_459, %add3A_460, %rem3A_451 : i32
      %mul3A_462 = arith.constant 16 : i32
      %mul3A_463 = arith.muli %select_n3A_461, %mul3A_462 : i32
      %mul3A_464 = arith.constant 16 : i32
      %mul3A_465 = arith.muli %add3A_445, %mul3A_464 : i32
      %add3A_466 = arith.addi %sub3A_152, %mul3A_465 : i32
      %select_n3A_467 = arith.select %eq3A_50, %mul3A_463, %add3A_466 : i32
      %mul3A_468 = arith.constant 8 : i32
      %mul3A_469 = arith.muli %add3A_311, %mul3A_468 : i32
      %add3A_470 = arith.constant 6 : i32
      %add3A_471 = arith.addi %mul3A_469, %add3A_470 : i32
      %jit3A_472 = arith.constant 128 : i32
      %eq3A_473 = arith.constant 0 : i32
      %eq3A_474 = arith.cmpi eq, %jit3A_472, %eq3A_473 : i32
      %jit3A_475 = arith.constant 1 : i32
      %select_n3A_476 = arith.select %eq3A_474, %jit3A_475, %jit3A_472 : i32
      %rem3A_477 = arith.remsi %add3A_471, %select_n3A_476 : i32
      %ne3A_478 = arith.constant 0 : i32
      %ne3A_479 = arith.cmpi ne, %rem3A_477, %ne3A_478 : i32
      %lt3A_480 = arith.constant 0 : i32
      %lt3A_481 = arith.cmpi slt, %rem3A_477, %lt3A_480 : i32
      %lt3A_482 = arith.constant 0 : i32
      %lt3A_483 = arith.cmpi slt, %select_n3A_476, %lt3A_482 : i32
      %ne3A_484 = arith.xori %lt3A_481, %lt3A_483 : i1
      %and3A_485 = arith.andi %ne3A_484, %ne3A_479 : i1
      %add3A_486 = arith.addi %rem3A_477, %select_n3A_476 : i32
      %select_n3A_487 = arith.select %and3A_485, %add3A_486, %rem3A_477 : i32
      %mul3A_488 = arith.constant 16 : i32
      %mul3A_489 = arith.muli %select_n3A_487, %mul3A_488 : i32
      %mul3A_490 = arith.constant 16 : i32
      %mul3A_491 = arith.muli %add3A_471, %mul3A_490 : i32
      %add3A_492 = arith.addi %sub3A_152, %mul3A_491 : i32
      %select_n3A_493 = arith.select %eq3A_50, %mul3A_489, %add3A_492 : i32
      %mul3A_494 = arith.constant 8 : i32
      %mul3A_495 = arith.muli %add3A_311, %mul3A_494 : i32
      %add3A_496 = arith.constant 7 : i32
      %add3A_497 = arith.addi %mul3A_495, %add3A_496 : i32
      %jit3A_498 = arith.constant 128 : i32
      %eq3A_499 = arith.constant 0 : i32
      %eq3A_500 = arith.cmpi eq, %jit3A_498, %eq3A_499 : i32
      %jit3A_501 = arith.constant 1 : i32
      %select_n3A_502 = arith.select %eq3A_500, %jit3A_501, %jit3A_498 : i32
      %rem3A_503 = arith.remsi %add3A_497, %select_n3A_502 : i32
      %ne3A_504 = arith.constant 0 : i32
      %ne3A_505 = arith.cmpi ne, %rem3A_503, %ne3A_504 : i32
      %lt3A_506 = arith.constant 0 : i32
      %lt3A_507 = arith.cmpi slt, %rem3A_503, %lt3A_506 : i32
      %lt3A_508 = arith.constant 0 : i32
      %lt3A_509 = arith.cmpi slt, %select_n3A_502, %lt3A_508 : i32
      %ne3A_510 = arith.xori %lt3A_507, %lt3A_509 : i1
      %and3A_511 = arith.andi %ne3A_510, %ne3A_505 : i1
      %add3A_512 = arith.addi %rem3A_503, %select_n3A_502 : i32
      %select_n3A_513 = arith.select %and3A_511, %add3A_512, %rem3A_503 : i32
      %mul3A_514 = arith.constant 16 : i32
      %mul3A_515 = arith.muli %select_n3A_513, %mul3A_514 : i32
      %mul3A_516 = arith.constant 16 : i32
      %mul3A_517 = arith.muli %add3A_497, %mul3A_516 : i32
      %add3A_518 = arith.addi %sub3A_152, %mul3A_517 : i32
      %select_n3A_519 = arith.select %eq3A_50, %mul3A_515, %add3A_518 : i32
      %get3A_520 = arith.index_cast %select_n3A_337 : i32 to index
      %get3A_521 = tpu.vector_load %arg4[%get3A_520] {strides = array<i32>} : memref<12288xi32, #tpu.memory_space<vmem>>, vector<16xi32>,
      %get3A_522 = arith.index_cast %select_n3A_363 : i32 to index
      %get3A_523 = tpu.vector_load %arg4[%get3A_522] {strides = array<i32>} : memref<12288xi32, #tpu.memory_space<vmem>>, vector<16xi32>,
      %get3A_524 = arith.index_cast %select_n3A_389 : i32 to index
      %get3A_525 = tpu.vector_load %arg4[%get3A_524] {strides = array<i32>} : memref<12288xi32, #tpu.memory_space<vmem>>, vector<16xi32>,
      %get3A_526 = arith.index_cast %select_n3A_415 : i32 to index
      %get3A_527 = tpu.vector_load %arg4[%get3A_526] {strides = array<i32>} : memref<12288xi32, #tpu.memory_space<vmem>>, vector<16xi32>,
      %get3A_528 = arith.index_cast %select_n3A_441 : i32 to index
      %get3A_529 = tpu.vector_load %arg4[%get3A_528] {strides = array<i32>} : memref<12288xi32, #tpu.memory_space<vmem>>, vector<16xi32>,
      %get3A_530 = arith.index_cast %select_n3A_467 : i32 to index
      %get3A_531 = tpu.vector_load %arg4[%get3A_530] {strides = array<i32>} : memref<12288xi32, #tpu.memory_space<vmem>>, vector<16xi32>,
      %get3A_532 = arith.index_cast %select_n3A_493 : i32 to index
      %get3A_533 = tpu.vector_load %arg4[%get3A_532] {strides = array<i32>} : memref<12288xi32, #tpu.memory_space<vmem>>, vector<16xi32>,
      %get3A_534 = arith.index_cast %select_n3A_519 : i32 to index
      %get3A_535 = tpu.vector_load %arg4[%get3A_534] {strides = array<i32>} : memref<12288xi32, #tpu.memory_space<vmem>>, vector<16xi32>,
      %broadcast_in_dim3A_536 = arith.constant true
      %broadcast_in_dim3A_537 = vector.broadcast %broadcast_in_dim3A_536 : i1 to vector<16xi1>
      %unique3A, %unique3A_538 = tpu.scan_count mask(%broadcast_in_dim3A_537 : vector<16xi1>) value(%get3A_521 : vector<16xi32>) : vector<16xi1>, vector<16xi32>
      %broadcast_in_dim3A_539 = arith.constant true
      %broadcast_in_dim3A_540 = vector.broadcast %broadcast_in_dim3A_539 : i1 to vector<16xi1>
      %unique3A_541, %unique3A_542 = tpu.scan_count mask(%broadcast_in_dim3A_540 : vector<16xi1>) value(%get3A_523 : vector<16xi32>) : vector<16xi1>, vector<16xi32>
      %broadcast_in_dim3A_543 = arith.constant true
      %broadcast_in_dim3A_544 = vector.broadcast %broadcast_in_dim3A_543 : i1 to vector<16xi1>
      %unique3A_545, %unique3A_546 = tpu.scan_count mask(%broadcast_in_dim3A_544 : vector<16xi1>) value(%get3A_525 : vector<16xi32>) : vector<16xi1>, vector<16xi32>
      %broadcast_in_dim3A_547 = arith.constant true
      %broadcast_in_dim3A_548 = vector.broadcast %broadcast_in_dim3A_547 : i1 to vector<16xi1>
      %unique3A_549, %unique3A_550 = tpu.scan_count mask(%broadcast_in_dim3A_548 : vector<16xi1>) value(%get3A_527 : vector<16xi32>) : vector<16xi1>, vector<16xi32>
      %broadcast_in_dim3A_551 = arith.constant true
      %broadcast_in_dim3A_552 = vector.broadcast %broadcast_in_dim3A_551 : i1 to vector<16xi1>
      %unique3A_553, %unique3A_554 = tpu.scan_count mask(%broadcast_in_dim3A_552 : vector<16xi1>) value(%get3A_529 : vector<16xi32>) : vector<16xi1>, vector<16xi32>
      %broadcast_in_dim3A_555 = arith.constant true
      %broadcast_in_dim3A_556 = vector.broadcast %broadcast_in_dim3A_555 : i1 to vector<16xi1>
      %unique3A_557, %unique3A_558 = tpu.scan_count mask(%broadcast_in_dim3A_556 : vector<16xi1>) value(%get3A_531 : vector<16xi32>) : vector<16xi1>, vector<16xi32>
      %broadcast_in_dim3A_559 = arith.constant true
      %broadcast_in_dim3A_560 = vector.broadcast %broadcast_in_dim3A_559 : i1 to vector<16xi1>
      %unique3A_561, %unique3A_562 = tpu.scan_count mask(%broadcast_in_dim3A_560 : vector<16xi1>) value(%get3A_533 : vector<16xi32>) : vector<16xi1>, vector<16xi32>
      %broadcast_in_dim3A_563 = arith.constant true
      %broadcast_in_dim3A_564 = vector.broadcast %broadcast_in_dim3A_563 : i1 to vector<16xi1>
      %unique3A_565, %unique3A_566 = tpu.scan_count mask(%broadcast_in_dim3A_564 : vector<16xi1>) value(%get3A_535 : vector<16xi32>) : vector<16xi1>, vector<16xi32>
      %add3A_567 = arith.addi %get3A_521, %broadcast_in_dim3A_52 : vector<16xi32>
      tpu.vector_store_idx %arg5[%add3A_567], %unique3A_538 masked %unique3A {add = true} : memref<512xi32, #tpu.memory_space<vmem>>[vector<16xi32>], vector<16xi32>, vector<16xi1>
      %add3A_568 = arith.addi %get3A_523, %broadcast_in_dim3A_54 : vector<16xi32>
      tpu.vector_store_idx %arg5[%add3A_568], %unique3A_542 masked %unique3A_541 {add = true} : memref<512xi32, #tpu.memory_space<vmem>>[vector<16xi32>], vector<16xi32>, vector<16xi1>
      %add3A_569 = arith.addi %get3A_525, %broadcast_in_dim3A_56 : vector<16xi32>
      tpu.vector_store_idx %arg5[%add3A_569], %unique3A_546 masked %unique3A_545 {add = true} : memref<512xi32, #tpu.memory_space<vmem>>[vector<16xi32>], vector<16xi32>, vector<16xi1>
      %add3A_570 = arith.addi %get3A_527, %broadcast_in_dim3A_58 : vector<16xi32>
      tpu.vector_store_idx %arg5[%add3A_570], %unique3A_550 masked %unique3A_549 {add = true} : memref<512xi32, #tpu.memory_space<vmem>>[vector<16xi32>], vector<16xi32>, vector<16xi1>
      %add3A_571 = arith.addi %get3A_529, %broadcast_in_dim3A_52 : vector<16xi32>
      tpu.vector_store_idx %arg5[%add3A_571], %unique3A_554 masked %unique3A_553 {add = true} : memref<512xi32, #tpu.memory_space<vmem>>[vector<16xi32>], vector<16xi32>, vector<16xi1>
      %add3A_572 = arith.addi %get3A_531, %broadcast_in_dim3A_54 : vector<16xi32>
      tpu.vector_store_idx %arg5[%add3A_572], %unique3A_558 masked %unique3A_557 {add = true} : memref<512xi32, #tpu.memory_space<vmem>>[vector<16xi32>], vector<16xi32>, vector<16xi1>
      %add3A_573 = arith.addi %get3A_533, %broadcast_in_dim3A_56 : vector<16xi32>
      tpu.vector_store_idx %arg5[%add3A_573], %unique3A_562 masked %unique3A_561 {add = true} : memref<512xi32, #tpu.memory_space<vmem>>[vector<16xi32>], vector<16xi32>, vector<16xi1>
      %add3A_574 = arith.addi %get3A_535, %broadcast_in_dim3A_58 : vector<16xi32>
      tpu.vector_store_idx %arg5[%add3A_574], %unique3A_566 masked %unique3A_565 {add = true} : memref<512xi32, #tpu.memory_space<vmem>>[vector<16xi32>], vector<16xi32>, vector<16xi1>
    }
    %scan3A_156 = arith.constant 32 : i32
    %and3A_157 = vector.broadcast %eq3A_50 : i1 to vector<16xi1>
    %and3A_158 = arith.andi %eq3A_45, %and3A_157 : vector<16xi1>
    %get3A = arith.constant 0 : index
    %get3A_159 = tpu.vector_load %arg4[%get3A] {strides = array<i32>} : memref<12288xi32, #tpu.memory_space<vmem>>, vector<16xi32>,
    %get3A_160 = arith.constant 2048 : index
    %get3A_161 = tpu.vector_load %arg4[%get3A_160] {strides = array<i32>} : memref<12288xi32, #tpu.memory_space<vmem>>, vector<16xi32>,
    %add3A_162 = arith.addi %get3A_159, %broadcast_in_dim3A_52 : vector<16xi32>
    tpu.vector_store_idx %arg5[%add3A_162], %broadcast_in_dim3A_48 masked %and3A_158 {add = true} : memref<512xi32, #tpu.memory_space<vmem>>[vector<16xi32>], vector<16xi32>, vector<16xi1>
    %add3A_163 = arith.addi %get3A_161, %broadcast_in_dim3A_54 : vector<16xi32>
    tpu.vector_store_idx %arg5[%add3A_163], %broadcast_in_dim3A_46 masked %and3A_158 {add = true} : memref<512xi32, #tpu.memory_space<vmem>>[vector<16xi32>], vector<16xi32>, vector<16xi1>
    %get3A_164 = arith.constant 0 : index
    %get3A_165 = tpu.vector_load %arg5[%get3A_164] {strides = array<i32>} : memref<512xi32, #tpu.memory_space<vmem>>, vector<16xi32>,
    %get3A_166 = arith.constant 128 : index
    %get3A_167 = tpu.vector_load %arg5[%get3A_166] {strides = array<i32>} : memref<512xi32, #tpu.memory_space<vmem>>, vector<16xi32>,
    %add3A_168 = arith.addi %get3A_165, %get3A_167 : vector<16xi32>
    %get3A_169 = arith.constant 256 : index
    %get3A_170 = tpu.vector_load %arg5[%get3A_169] {strides = array<i32>} : memref<512xi32, #tpu.memory_space<vmem>>, vector<16xi32>,
    %get3A_171 = arith.constant 384 : index
    %get3A_172 = tpu.vector_load %arg5[%get3A_171] {strides = array<i32>} : memref<512xi32, #tpu.memory_space<vmem>>, vector<16xi32>,
    %add3A_173 = arith.addi %get3A_170, %get3A_172 : vector<16xi32>
    %add3A_174 = arith.addi %add3A_168, %add3A_173 : vector<16xi32>
    %mul3A_175 = arith.constant 128 : i32
    %mul3A_176 = vector.broadcast %mul3A_175 : i32 to vector<16xi32>
    %mul3A_177 = arith.muli %add3A_174, %mul3A_176 : vector<16xi32>
    %add3A_178 = arith.addi %mul3A_177, %sub3A_61 : vector<16xi32>
    %get3A_179 = arith.constant 16 : index
    %get3A_180 = tpu.vector_load %arg5[%get3A_179] {strides = array<i32>} : memref<512xi32, #tpu.memory_space<vmem>>, vector<16xi32>,
    %get3A_181 = arith.constant 144 : index
    %get3A_182 = tpu.vector_load %arg5[%get3A_181] {strides = array<i32>} : memref<512xi32, #tpu.memory_space<vmem>>, vector<16xi32>,
    %add3A_183 = arith.addi %get3A_180, %get3A_182 : vector<16xi32>
    %get3A_184 = arith.constant 272 : index
    %get3A_185 = tpu.vector_load %arg5[%get3A_184] {strides = array<i32>} : memref<512xi32, #tpu.memory_space<vmem>>, vector<16xi32>,
    %get3A_186 = arith.constant 400 : index
    %get3A_187 = tpu.vector_load %arg5[%get3A_186] {strides = array<i32>} : memref<512xi32, #tpu.memory_space<vmem>>, vector<16xi32>,
    %add3A_188 = arith.addi %get3A_185, %get3A_187 : vector<16xi32>
    %add3A_189 = arith.addi %add3A_183, %add3A_188 : vector<16xi32>
    %mul3A_190 = arith.constant 128 : i32
    %mul3A_191 = vector.broadcast %mul3A_190 : i32 to vector<16xi32>
    %mul3A_192 = arith.muli %add3A_189, %mul3A_191 : vector<16xi32>
    %add3A_193 = arith.addi %mul3A_192, %sub3A_64 : vector<16xi32>
    %max3A_194 = arith.maxsi %add3A_178, %add3A_193 : vector<16xi32>
    %get3A_195 = arith.constant 32 : index
    %get3A_196 = tpu.vector_load %arg5[%get3A_195] {strides = array<i32>} : memref<512xi32, #tpu.memory_space<vmem>>, vector<16xi32>,
    %get3A_197 = arith.constant 160 : index
    %get3A_198 = tpu.vector_load %arg5[%get3A_197] {strides = array<i32>} : memref<512xi32, #tpu.memory_space<vmem>>, vector<16xi32>,
    %add3A_199 = arith.addi %get3A_196, %get3A_198 : vector<16xi32>
    %get3A_200 = arith.constant 288 : index
    %get3A_201 = tpu.vector_load %arg5[%get3A_200] {strides = array<i32>} : memref<512xi32, #tpu.memory_space<vmem>>, vector<16xi32>,
    %get3A_202 = arith.constant 416 : index
    %get3A_203 = tpu.vector_load %arg5[%get3A_202] {strides = array<i32>} : memref<512xi32, #tpu.memory_space<vmem>>, vector<16xi32>,
    %add3A_204 = arith.addi %get3A_201, %get3A_203 : vector<16xi32>
    %add3A_205 = arith.addi %add3A_199, %add3A_204 : vector<16xi32>
    %mul3A_206 = arith.constant 128 : i32
    %mul3A_207 = vector.broadcast %mul3A_206 : i32 to vector<16xi32>
    %mul3A_208 = arith.muli %add3A_205, %mul3A_207 : vector<16xi32>
    %add3A_209 = arith.addi %mul3A_208, %sub3A_67 : vector<16xi32>
    %max3A_210 = arith.maxsi %max3A_194, %add3A_209 : vector<16xi32>
    %get3A_211 = arith.constant 48 : index
    %get3A_212 = tpu.vector_load %arg5[%get3A_211] {strides = array<i32>} : memref<512xi32, #tpu.memory_space<vmem>>, vector<16xi32>,
    %get3A_213 = arith.constant 176 : index
    %get3A_214 = tpu.vector_load %arg5[%get3A_213] {strides = array<i32>} : memref<512xi32, #tpu.memory_space<vmem>>, vector<16xi32>,
    %add3A_215 = arith.addi %get3A_212, %get3A_214 : vector<16xi32>
    %get3A_216 = arith.constant 304 : index
    %get3A_217 = tpu.vector_load %arg5[%get3A_216] {strides = array<i32>} : memref<512xi32, #tpu.memory_space<vmem>>, vector<16xi32>,
    %get3A_218 = arith.constant 432 : index
    %get3A_219 = tpu.vector_load %arg5[%get3A_218] {strides = array<i32>} : memref<512xi32, #tpu.memory_space<vmem>>, vector<16xi32>,
    %add3A_220 = arith.addi %get3A_217, %get3A_219 : vector<16xi32>
    %add3A_221 = arith.addi %add3A_215, %add3A_220 : vector<16xi32>
    %mul3A_222 = arith.constant 128 : i32
    %mul3A_223 = vector.broadcast %mul3A_222 : i32 to vector<16xi32>
    %mul3A_224 = arith.muli %add3A_221, %mul3A_223 : vector<16xi32>
    %add3A_225 = arith.addi %mul3A_224, %sub3A_70 : vector<16xi32>
    %max3A_226 = arith.maxsi %max3A_210, %add3A_225 : vector<16xi32>
    %get3A_227 = arith.constant 64 : index
    %get3A_228 = tpu.vector_load %arg5[%get3A_227] {strides = array<i32>} : memref<512xi32, #tpu.memory_space<vmem>>, vector<16xi32>,
    %get3A_229 = arith.constant 192 : index
    %get3A_230 = tpu.vector_load %arg5[%get3A_229] {strides = array<i32>} : memref<512xi32, #tpu.memory_space<vmem>>, vector<16xi32>,
    %add3A_231 = arith.addi %get3A_228, %get3A_230 : vector<16xi32>
    %get3A_232 = arith.constant 320 : index
    %get3A_233 = tpu.vector_load %arg5[%get3A_232] {strides = array<i32>} : memref<512xi32, #tpu.memory_space<vmem>>, vector<16xi32>,
    %get3A_234 = arith.constant 448 : index
    %get3A_235 = tpu.vector_load %arg5[%get3A_234] {strides = array<i32>} : memref<512xi32, #tpu.memory_space<vmem>>, vector<16xi32>,
    %add3A_236 = arith.addi %get3A_233, %get3A_235 : vector<16xi32>
    %add3A_237 = arith.addi %add3A_231, %add3A_236 : vector<16xi32>
    %mul3A_238 = arith.constant 128 : i32
    %mul3A_239 = vector.broadcast %mul3A_238 : i32 to vector<16xi32>
    %mul3A_240 = arith.muli %add3A_237, %mul3A_239 : vector<16xi32>
    %add3A_241 = arith.addi %mul3A_240, %sub3A_73 : vector<16xi32>
    %max3A_242 = arith.maxsi %max3A_226, %add3A_241 : vector<16xi32>
    %get3A_243 = arith.constant 80 : index
    %get3A_244 = tpu.vector_load %arg5[%get3A_243] {strides = array<i32>} : memref<512xi32, #tpu.memory_space<vmem>>, vector<16xi32>,
    %get3A_245 = arith.constant 208 : index
    %get3A_246 = tpu.vector_load %arg5[%get3A_245] {strides = array<i32>} : memref<512xi32, #tpu.memory_space<vmem>>, vector<16xi32>,
    %add3A_247 = arith.addi %get3A_244, %get3A_246 : vector<16xi32>
    %get3A_248 = arith.constant 336 : index
    %get3A_249 = tpu.vector_load %arg5[%get3A_248] {strides = array<i32>} : memref<512xi32, #tpu.memory_space<vmem>>, vector<16xi32>,
    %get3A_250 = arith.constant 464 : index
    %get3A_251 = tpu.vector_load %arg5[%get3A_250] {strides = array<i32>} : memref<512xi32, #tpu.memory_space<vmem>>, vector<16xi32>,
    %add3A_252 = arith.addi %get3A_249, %get3A_251 : vector<16xi32>
    %add3A_253 = arith.addi %add3A_247, %add3A_252 : vector<16xi32>
    %mul3A_254 = arith.constant 128 : i32
    %mul3A_255 = vector.broadcast %mul3A_254 : i32 to vector<16xi32>
    %mul3A_256 = arith.muli %add3A_253, %mul3A_255 : vector<16xi32>
    %add3A_257 = arith.addi %mul3A_256, %sub3A_76 : vector<16xi32>
    %max3A_258 = arith.maxsi %max3A_242, %add3A_257 : vector<16xi32>
    %get3A_259 = arith.constant 96 : index
    %get3A_260 = tpu.vector_load %arg5[%get3A_259] {strides = array<i32>} : memref<512xi32, #tpu.memory_space<vmem>>, vector<16xi32>,
    %get3A_261 = arith.constant 224 : index
    %get3A_262 = tpu.vector_load %arg5[%get3A_261] {strides = array<i32>} : memref<512xi32, #tpu.memory_space<vmem>>, vector<16xi32>,
    %add3A_263 = arith.addi %get3A_260, %get3A_262 : vector<16xi32>
    %get3A_264 = arith.constant 352 : index
    %get3A_265 = tpu.vector_load %arg5[%get3A_264] {strides = array<i32>} : memref<512xi32, #tpu.memory_space<vmem>>, vector<16xi32>,
    %get3A_266 = arith.constant 480 : index
    %get3A_267 = tpu.vector_load %arg5[%get3A_266] {strides = array<i32>} : memref<512xi32, #tpu.memory_space<vmem>>, vector<16xi32>,
    %add3A_268 = arith.addi %get3A_265, %get3A_267 : vector<16xi32>
    %add3A_269 = arith.addi %add3A_263, %add3A_268 : vector<16xi32>
    %mul3A_270 = arith.constant 128 : i32
    %mul3A_271 = vector.broadcast %mul3A_270 : i32 to vector<16xi32>
    %mul3A_272 = arith.muli %add3A_269, %mul3A_271 : vector<16xi32>
    %add3A_273 = arith.addi %mul3A_272, %sub3A_79 : vector<16xi32>
    %max3A_274 = arith.maxsi %max3A_258, %add3A_273 : vector<16xi32>
    %get3A_275 = arith.constant 112 : index
    %get3A_276 = tpu.vector_load %arg5[%get3A_275] {strides = array<i32>} : memref<512xi32, #tpu.memory_space<vmem>>, vector<16xi32>,
    %get3A_277 = arith.constant 240 : index
    %get3A_278 = tpu.vector_load %arg5[%get3A_277] {strides = array<i32>} : memref<512xi32, #tpu.memory_space<vmem>>, vector<16xi32>,
    %add3A_279 = arith.addi %get3A_276, %get3A_278 : vector<16xi32>
    %get3A_280 = arith.constant 368 : index
    %get3A_281 = tpu.vector_load %arg5[%get3A_280] {strides = array<i32>} : memref<512xi32, #tpu.memory_space<vmem>>, vector<16xi32>,
    %get3A_282 = arith.constant 496 : index
    %get3A_283 = tpu.vector_load %arg5[%get3A_282] {strides = array<i32>} : memref<512xi32, #tpu.memory_space<vmem>>, vector<16xi32>,
    %add3A_284 = arith.addi %get3A_281, %get3A_283 : vector<16xi32>
    %add3A_285 = arith.addi %add3A_279, %add3A_284 : vector<16xi32>
    %mul3A_286 = arith.constant 128 : i32
    %mul3A_287 = vector.broadcast %mul3A_286 : i32 to vector<16xi32>
    %mul3A_288 = arith.muli %add3A_285, %mul3A_287 : vector<16xi32>
    %add3A_289 = arith.addi %mul3A_288, %sub3A_82 : vector<16xi32>
    %max3A_290 = arith.maxsi %max3A_274, %add3A_289 : vector<16xi32>
    %sort3A = arith.constant dense<true> : vector<16xi1>
    %sort3A_291, %sort3A_292, %sort3A_293 = tpu.sort %max3A_290, %max3A_290 masked %sort3A : (vector<16xi32>, vector<16xi32>, vector<16xi1>) -> (vector<16xi1>, vector<16xi32>, vector<16xi32>)
    %and3A_294 = arith.constant 127 : i32
    %and3A_295 = vector.broadcast %and3A_294 : i32 to vector<16xi32>
    %and3A_296 = arith.andi %sort3A_292, %and3A_295 : vector<16xi32>
    %sub3A_297 = arith.constant 127 : i32
    %sub3A_298 = vector.broadcast %sub3A_297 : i32 to vector<16xi32>
    %sub3A_299 = arith.subi %sub3A_298, %and3A_296 : vector<16xi32>
    %broadcast_in_dim3A_300 = arith.constant 0 : i32
    %broadcast_in_dim3A_301 = vector.broadcast %broadcast_in_dim3A_300 : i32 to vector<16xi32>
    tpu.vector_store_idx %arg6[%broadcast_in_dim3A_301], %sub3A_299 masked %eq3A_42 : memref<80xi32, #tpu.memory_space<vmem>>[vector<16xi32>], vector<16xi32>, vector<16xi1>
    %scan3A_302 = arith.constant 0 : i32
    %scan3A_303 = arith.constant 64 : i32
    %scan3A_304 = arith.addi %scan3A_302, %scan3A_303 : i32
    %scan3A_305 = arith.constant 1 : i32
    scf.for %scan3A_307 = %scan3A_302 to %scan3A_304 step %scan3A_305  : i32 {
      %mul3A_308 = arith.constant 1 : i32
      %mul3A_309 = arith.muli %scan3A_307, %mul3A_308 : i32
      %add3A_310 = arith.constant 0 : i32
      %add3A_311 = arith.addi %add3A_310, %mul3A_309 : i32
      %mul3A_312 = arith.constant 64 : i32
      %mul3A_313 = arith.muli %select_n3A_30, %mul3A_312 : i32
      %add3A_314 = arith.addi %mul3A_313, %add3A_311 : i32
      %add3A_315 = arith.constant 32 : i32
      %add3A_316 = arith.addi %add3A_314, %add3A_315 : i32
      %lt3A_317 = arith.constant 16 : i32
      %lt3A_318 = arith.cmpi slt, %add3A_314, %lt3A_317 : i32
      %ge3A = arith.constant 272 : i32
      %ge3A_319 = arith.cmpi sge, %add3A_316, %ge3A : i32
      %mul3A_320 = arith.constant 128 : i32
      %mul3A_321 = arith.muli %add3A_314, %mul3A_320 : i32
      %sub3A_322 = arith.constant 2048 : i32
      %sub3A_323 = arith.subi %mul3A_321, %sub3A_322 : i32
      %sub3A_324 = arith.subi %sub3A_323, %min3A : i32
      %mul3A_325 = arith.constant 128 : i32
      %mul3A_326 = arith.muli %add3A_316, %mul3A_325 : i32
      %sub3A_327 = arith.constant 2048 : i32
      %sub3A_328 = arith.subi %mul3A_326, %sub3A_327 : i32
      %sub3A_329 = arith.subi %sub3A_328, %min3A : i32
      %mul3A_330 = arith.constant 128 : i32
      %mul3A_331 = arith.muli %mul3A_330, %add3A_314 : i32
      %sub3A_332 = arith.constant 1920 : i32
      %sub3A_333 = arith.subi %sub3A_332, %mul3A_331 : i32
      %select_n3A_334 = arith.select %lt3A_318, %sub3A_333, %sub3A_324 : i32
      %mul3A_335 = arith.constant 128 : i32
      %mul3A_336 = arith.muli %mul3A_335, %add3A_316 : i32
      %sub3A_337 = arith.constant 46976 : i32
      %sub3A_338 = arith.subi %sub3A_337, %mul3A_336 : i32
      %select_n3A_339 = arith.select %ge3A_319, %sub3A_338, %sub3A_329 : i32
      %get3A_340 = arith.index_cast %select_n3A_334 : i32 to index
      %get3A_341 = tpu.vector_load %arg4[%get3A_340] {strides = array<i32>} : memref<12288xi32, #tpu.memory_space<vmem>>, vector<16xi32>,
      %add3A_342 = arith.constant 128 : i32
      %add3A_343 = arith.addi %select_n3A_334, %add3A_342 : i32
      %get3A_344 = arith.index_cast %add3A_343 : i32 to index
      %get3A_345 = tpu.vector_load %arg4[%get3A_344] {strides = array<i32>} : memref<12288xi32, #tpu.memory_space<vmem>>, vector<16xi32>,
      %sub3A_346 = arith.constant 16 : i32
      %sub3A_347 = arith.subi %select_n3A_339, %sub3A_346 : i32
      %get3A_348 = arith.index_cast %sub3A_347 : i32 to index
      %get3A_349 = tpu.vector_load %arg4[%get3A_348] {strides = array<i32>} : memref<12288xi32, #tpu.memory_space<vmem>>, vector<16xi32>,
      %add3A_350 = arith.constant 128 : i32
      %add3A_351 = arith.addi %select_n3A_339, %add3A_350 : i32
      %sub3A_352 = arith.constant 16 : i32
      %sub3A_353 = arith.subi %add3A_351, %sub3A_352 : i32
      %get3A_354 = arith.index_cast %sub3A_353 : i32 to index
      %get3A_355 = tpu.vector_load %arg4[%get3A_354] {strides = array<i32>} : memref<12288xi32, #tpu.memory_space<vmem>>, vector<16xi32>,
      %and3A_356 = vector.broadcast %lt3A_318 : i1 to vector<16xi1>
      %and3A_357 = arith.andi %eq3A_45, %and3A_356 : vector<16xi1>
      %and3A_358 = vector.broadcast %ge3A_319 : i1 to vector<16xi1>
      %and3A_359 = arith.andi %eq3A_42, %and3A_358 : vector<16xi1>
      %add3A_360 = arith.addi %get3A_341, %broadcast_in_dim3A_52 : vector<16xi32>
      tpu.vector_store_idx %arg5[%add3A_360], %broadcast_in_dim3A_46 masked %and3A_357 {add = true} : memref<512xi32, #tpu.memory_space<vmem>>[vector<16xi32>], vector<16xi32>, vector<16xi1>
      %add3A_361 = arith.addi %get3A_345, %broadcast_in_dim3A_54 : vector<16xi32>
      tpu.vector_store_idx %arg5[%add3A_361], %broadcast_in_dim3A_48 masked %and3A_357 {add = true} : memref<512xi32, #tpu.memory_space<vmem>>[vector<16xi32>], vector<16xi32>, vector<16xi1>
      %add3A_362 = arith.addi %get3A_349, %broadcast_in_dim3A_56 : vector<16xi32>
      tpu.vector_store_idx %arg5[%add3A_362], %broadcast_in_dim3A_46 masked %and3A_359 {add = true} : memref<512xi32, #tpu.memory_space<vmem>>[vector<16xi32>], vector<16xi32>, vector<16xi1>
      %add3A_363 = arith.addi %get3A_355, %broadcast_in_dim3A_58 : vector<16xi32>
      tpu.vector_store_idx %arg5[%add3A_363], %broadcast_in_dim3A_48 masked %and3A_359 {add = true} : memref<512xi32, #tpu.memory_space<vmem>>[vector<16xi32>], vector<16xi32>, vector<16xi1>
      %add3A_364 = arith.constant 0 : i32
      %add3A_365 = arith.addi %select_n3A_334, %add3A_364 : i32
      %add3A_366 = arith.constant 0 : i32
      %add3A_367 = arith.addi %select_n3A_339, %add3A_366 : i32
      %add3A_368 = arith.constant 16 : i32
      %add3A_369 = arith.addi %select_n3A_334, %add3A_368 : i32
      %add3A_370 = arith.constant 16 : i32
      %add3A_371 = arith.addi %select_n3A_339, %add3A_370 : i32
      %add3A_372 = arith.constant 32 : i32
      %add3A_373 = arith.addi %select_n3A_334, %add3A_372 : i32
      %add3A_374 = arith.constant 32 : i32
      %add3A_375 = arith.addi %select_n3A_339, %add3A_374 : i32
      %add3A_376 = arith.constant 48 : i32
      %add3A_377 = arith.addi %select_n3A_334, %add3A_376 : i32
      %add3A_378 = arith.constant 48 : i32
      %add3A_379 = arith.addi %select_n3A_339, %add3A_378 : i32
      %add3A_380 = arith.constant 64 : i32
      %add3A_381 = arith.addi %select_n3A_334, %add3A_380 : i32
      %add3A_382 = arith.constant 64 : i32
      %add3A_383 = arith.addi %select_n3A_339, %add3A_382 : i32
      %add3A_384 = arith.constant 80 : i32
      %add3A_385 = arith.addi %select_n3A_334, %add3A_384 : i32
      %add3A_386 = arith.constant 80 : i32
      %add3A_387 = arith.addi %select_n3A_339, %add3A_386 : i32
      %add3A_388 = arith.constant 96 : i32
      %add3A_389 = arith.addi %select_n3A_334, %add3A_388 : i32
      %add3A_390 = arith.constant 96 : i32
      %add3A_391 = arith.addi %select_n3A_339, %add3A_390 : i32
      %add3A_392 = arith.constant 112 : i32
      %add3A_393 = arith.addi %select_n3A_334, %add3A_392 : i32
      %add3A_394 = arith.constant 112 : i32
      %add3A_395 = arith.addi %select_n3A_339, %add3A_394 : i32
      %get3A_396 = arith.index_cast %add3A_365 : i32 to index
      %get3A_397 = tpu.vector_load %arg4[%get3A_396] {strides = array<i32>} : memref<12288xi32, #tpu.memory_space<vmem>>, vector<16xi32>,
      %get3A_398 = arith.index_cast %add3A_367 : i32 to index
      %get3A_399 = tpu.vector_load %arg4[%get3A_398] {strides = array<i32>} : memref<12288xi32, #tpu.memory_space<vmem>>, vector<16xi32>,
      %get3A_400 = arith.index_cast %add3A_369 : i32 to index
      %get3A_401 = tpu.vector_load %arg4[%get3A_400] {strides = array<i32>} : memref<12288xi32, #tpu.memory_space<vmem>>, vector<16xi32>,
      %get3A_402 = arith.index_cast %add3A_371 : i32 to index
      %get3A_403 = tpu.vector_load %arg4[%get3A_402] {strides = array<i32>} : memref<12288xi32, #tpu.memory_space<vmem>>, vector<16xi32>,
      %get3A_404 = arith.index_cast %add3A_373 : i32 to index
      %get3A_405 = tpu.vector_load %arg4[%get3A_404] {strides = array<i32>} : memref<12288xi32, #tpu.memory_space<vmem>>, vector<16xi32>,
      %get3A_406 = arith.index_cast %add3A_375 : i32 to index
      %get3A_407 = tpu.vector_load %arg4[%get3A_406] {strides = array<i32>} : memref<12288xi32, #tpu.memory_space<vmem>>, vector<16xi32>,
      %get3A_408 = arith.index_cast %add3A_377 : i32 to index
      %get3A_409 = tpu.vector_load %arg4[%get3A_408] {strides = array<i32>} : memref<12288xi32, #tpu.memory_space<vmem>>, vector<16xi32>,
      %get3A_410 = arith.index_cast %add3A_379 : i32 to index
      %get3A_411 = tpu.vector_load %arg4[%get3A_410] {strides = array<i32>} : memref<12288xi32, #tpu.memory_space<vmem>>, vector<16xi32>,
      %get3A_412 = arith.index_cast %add3A_381 : i32 to index
      %get3A_413 = tpu.vector_load %arg4[%get3A_412] {strides = array<i32>} : memref<12288xi32, #tpu.memory_space<vmem>>, vector<16xi32>,
      %get3A_414 = arith.index_cast %add3A_383 : i32 to index
      %get3A_415 = tpu.vector_load %arg4[%get3A_414] {strides = array<i32>} : memref<12288xi32, #tpu.memory_space<vmem>>, vector<16xi32>,
      %get3A_416 = arith.index_cast %add3A_385 : i32 to index
      %get3A_417 = tpu.vector_load %arg4[%get3A_416] {strides = array<i32>} : memref<12288xi32, #tpu.memory_space<vmem>>, vector<16xi32>,
      %get3A_418 = arith.index_cast %add3A_387 : i32 to index
      %get3A_419 = tpu.vector_load %arg4[%get3A_418] {strides = array<i32>} : memref<12288xi32, #tpu.memory_space<vmem>>, vector<16xi32>,
      %get3A_420 = arith.index_cast %add3A_389 : i32 to index
      %get3A_421 = tpu.vector_load %arg4[%get3A_420] {strides = array<i32>} : memref<12288xi32, #tpu.memory_space<vmem>>, vector<16xi32>,
      %get3A_422 = arith.index_cast %add3A_391 : i32 to index
      %get3A_423 = tpu.vector_load %arg4[%get3A_422] {strides = array<i32>} : memref<12288xi32, #tpu.memory_space<vmem>>, vector<16xi32>,
      %get3A_424 = arith.index_cast %add3A_393 : i32 to index
      %get3A_425 = tpu.vector_load %arg4[%get3A_424] {strides = array<i32>} : memref<12288xi32, #tpu.memory_space<vmem>>, vector<16xi32>,
      %get3A_426 = arith.index_cast %add3A_395 : i32 to index
      %get3A_427 = tpu.vector_load %arg4[%get3A_426] {strides = array<i32>} : memref<12288xi32, #tpu.memory_space<vmem>>, vector<16xi32>,
      %broadcast_in_dim3A_428 = arith.constant true
      %broadcast_in_dim3A_429 = vector.broadcast %broadcast_in_dim3A_428 : i1 to vector<16xi1>
      %unique3A, %unique3A_430 = tpu.scan_count mask(%broadcast_in_dim3A_429 : vector<16xi1>) value(%get3A_397 : vector<16xi32>) : vector<16xi1>, vector<16xi32>
      %broadcast_in_dim3A_431 = arith.constant true
      %broadcast_in_dim3A_432 = vector.broadcast %broadcast_in_dim3A_431 : i1 to vector<16xi1>
      %unique3A_433, %unique3A_434 = tpu.scan_count mask(%broadcast_in_dim3A_432 : vector<16xi1>) value(%get3A_399 : vector<16xi32>) : vector<16xi1>, vector<16xi32>
      %broadcast_in_dim3A_435 = arith.constant true
      %broadcast_in_dim3A_436 = vector.broadcast %broadcast_in_dim3A_435 : i1 to vector<16xi1>
      %unique3A_437, %unique3A_438 = tpu.scan_count mask(%broadcast_in_dim3A_436 : vector<16xi1>) value(%get3A_401 : vector<16xi32>) : vector<16xi1>, vector<16xi32>
      %broadcast_in_dim3A_439 = arith.constant true
      %broadcast_in_dim3A_440 = vector.broadcast %broadcast_in_dim3A_439 : i1 to vector<16xi1>
      %unique3A_441, %unique3A_442 = tpu.scan_count mask(%broadcast_in_dim3A_440 : vector<16xi1>) value(%get3A_403 : vector<16xi32>) : vector<16xi1>, vector<16xi32>
      %broadcast_in_dim3A_443 = arith.constant true
      %broadcast_in_dim3A_444 = vector.broadcast %broadcast_in_dim3A_443 : i1 to vector<16xi1>
      %unique3A_445, %unique3A_446 = tpu.scan_count mask(%broadcast_in_dim3A_444 : vector<16xi1>) value(%get3A_405 : vector<16xi32>) : vector<16xi1>, vector<16xi32>
      %broadcast_in_dim3A_447 = arith.constant true
      %broadcast_in_dim3A_448 = vector.broadcast %broadcast_in_dim3A_447 : i1 to vector<16xi1>
      %unique3A_449, %unique3A_450 = tpu.scan_count mask(%broadcast_in_dim3A_448 : vector<16xi1>) value(%get3A_407 : vector<16xi32>) : vector<16xi1>, vector<16xi32>
      %broadcast_in_dim3A_451 = arith.constant true
      %broadcast_in_dim3A_452 = vector.broadcast %broadcast_in_dim3A_451 : i1 to vector<16xi1>
      %unique3A_453, %unique3A_454 = tpu.scan_count mask(%broadcast_in_dim3A_452 : vector<16xi1>) value(%get3A_409 : vector<16xi32>) : vector<16xi1>, vector<16xi32>
      %broadcast_in_dim3A_455 = arith.constant true
      %broadcast_in_dim3A_456 = vector.broadcast %broadcast_in_dim3A_455 : i1 to vector<16xi1>
      %unique3A_457, %unique3A_458 = tpu.scan_count mask(%broadcast_in_dim3A_456 : vector<16xi1>) value(%get3A_411 : vector<16xi32>) : vector<16xi1>, vector<16xi32>
      %broadcast_in_dim3A_459 = arith.constant true
      %broadcast_in_dim3A_460 = vector.broadcast %broadcast_in_dim3A_459 : i1 to vector<16xi1>
      %unique3A_461, %unique3A_462 = tpu.scan_count mask(%broadcast_in_dim3A_460 : vector<16xi1>) value(%get3A_413 : vector<16xi32>) : vector<16xi1>, vector<16xi32>
      %broadcast_in_dim3A_463 = arith.constant true
      %broadcast_in_dim3A_464 = vector.broadcast %broadcast_in_dim3A_463 : i1 to vector<16xi1>
      %unique3A_465, %unique3A_466 = tpu.scan_count mask(%broadcast_in_dim3A_464 : vector<16xi1>) value(%get3A_415 : vector<16xi32>) : vector<16xi1>, vector<16xi32>
      %broadcast_in_dim3A_467 = arith.constant true
      %broadcast_in_dim3A_468 = vector.broadcast %broadcast_in_dim3A_467 : i1 to vector<16xi1>
      %unique3A_469, %unique3A_470 = tpu.scan_count mask(%broadcast_in_dim3A_468 : vector<16xi1>) value(%get3A_417 : vector<16xi32>) : vector<16xi1>, vector<16xi32>
      %broadcast_in_dim3A_471 = arith.constant true
      %broadcast_in_dim3A_472 = vector.broadcast %broadcast_in_dim3A_471 : i1 to vector<16xi1>
      %unique3A_473, %unique3A_474 = tpu.scan_count mask(%broadcast_in_dim3A_472 : vector<16xi1>) value(%get3A_419 : vector<16xi32>) : vector<16xi1>, vector<16xi32>
      %broadcast_in_dim3A_475 = arith.constant true
      %broadcast_in_dim3A_476 = vector.broadcast %broadcast_in_dim3A_475 : i1 to vector<16xi1>
      %unique3A_477, %unique3A_478 = tpu.scan_count mask(%broadcast_in_dim3A_476 : vector<16xi1>) value(%get3A_421 : vector<16xi32>) : vector<16xi1>, vector<16xi32>
      %broadcast_in_dim3A_479 = arith.constant true
      %broadcast_in_dim3A_480 = vector.broadcast %broadcast_in_dim3A_479 : i1 to vector<16xi1>
      %unique3A_481, %unique3A_482 = tpu.scan_count mask(%broadcast_in_dim3A_480 : vector<16xi1>) value(%get3A_423 : vector<16xi32>) : vector<16xi1>, vector<16xi32>
      %broadcast_in_dim3A_483 = arith.constant true
      %broadcast_in_dim3A_484 = vector.broadcast %broadcast_in_dim3A_483 : i1 to vector<16xi1>
      %unique3A_485, %unique3A_486 = tpu.scan_count mask(%broadcast_in_dim3A_484 : vector<16xi1>) value(%get3A_425 : vector<16xi32>) : vector<16xi1>, vector<16xi32>
      %broadcast_in_dim3A_487 = arith.constant true
      %broadcast_in_dim3A_488 = vector.broadcast %broadcast_in_dim3A_487 : i1 to vector<16xi1>
      %unique3A_489, %unique3A_490 = tpu.scan_count mask(%broadcast_in_dim3A_488 : vector<16xi1>) value(%get3A_427 : vector<16xi32>) : vector<16xi1>, vector<16xi32>
      %add3A_491 = arith.addi %get3A_397, %broadcast_in_dim3A_52 : vector<16xi32>
      %neg3A = arith.constant 0 : i32
      %neg3A_492 = vector.broadcast %neg3A : i32 to vector<16xi32>
      %neg3A_493 = arith.subi %neg3A_492, %unique3A_430 : vector<16xi32>
      tpu.vector_store_idx %arg5[%add3A_491], %neg3A_493 masked %unique3A {add = true} : memref<512xi32, #tpu.memory_space<vmem>>[vector<16xi32>], vector<16xi32>, vector<16xi1>
      %add3A_494 = arith.addi %get3A_399, %broadcast_in_dim3A_54 : vector<16xi32>
      tpu.vector_store_idx %arg5[%add3A_494], %unique3A_434 masked %unique3A_433 {add = true} : memref<512xi32, #tpu.memory_space<vmem>>[vector<16xi32>], vector<16xi32>, vector<16xi1>
      %add3A_495 = arith.addi %get3A_401, %broadcast_in_dim3A_56 : vector<16xi32>
      %neg3A_496 = arith.constant 0 : i32
      %neg3A_497 = vector.broadcast %neg3A_496 : i32 to vector<16xi32>
      %neg3A_498 = arith.subi %neg3A_497, %unique3A_438 : vector<16xi32>
      tpu.vector_store_idx %arg5[%add3A_495], %neg3A_498 masked %unique3A_437 {add = true} : memref<512xi32, #tpu.memory_space<vmem>>[vector<16xi32>], vector<16xi32>, vector<16xi1>
      %add3A_499 = arith.addi %get3A_403, %broadcast_in_dim3A_58 : vector<16xi32>
      tpu.vector_store_idx %arg5[%add3A_499], %unique3A_442 masked %unique3A_441 {add = true} : memref<512xi32, #tpu.memory_space<vmem>>[vector<16xi32>], vector<16xi32>, vector<16xi1>
      %add3A_500 = arith.addi %get3A_405, %broadcast_in_dim3A_52 : vector<16xi32>
      %neg3A_501 = arith.constant 0 : i32
      %neg3A_502 = vector.broadcast %neg3A_501 : i32 to vector<16xi32>
      %neg3A_503 = arith.subi %neg3A_502, %unique3A_446 : vector<16xi32>
      tpu.vector_store_idx %arg5[%add3A_500], %neg3A_503 masked %unique3A_445 {add = true} : memref<512xi32, #tpu.memory_space<vmem>>[vector<16xi32>], vector<16xi32>, vector<16xi1>
      %add3A_504 = arith.addi %get3A_407, %broadcast_in_dim3A_54 : vector<16xi32>
      tpu.vector_store_idx %arg5[%add3A_504], %unique3A_450 masked %unique3A_449 {add = true} : memref<512xi32, #tpu.memory_space<vmem>>[vector<16xi32>], vector<16xi32>, vector<16xi1>
      %add3A_505 = arith.addi %get3A_409, %broadcast_in_dim3A_56 : vector<16xi32>
      %neg3A_506 = arith.constant 0 : i32
      %neg3A_507 = vector.broadcast %neg3A_506 : i32 to vector<16xi32>
      %neg3A_508 = arith.subi %neg3A_507, %unique3A_454 : vector<16xi32>
      tpu.vector_store_idx %arg5[%add3A_505], %neg3A_508 masked %unique3A_453 {add = true} : memref<512xi32, #tpu.memory_space<vmem>>[vector<16xi32>], vector<16xi32>, vector<16xi1>
      %add3A_509 = arith.addi %get3A_411, %broadcast_in_dim3A_58 : vector<16xi32>
      tpu.vector_store_idx %arg5[%add3A_509], %unique3A_458 masked %unique3A_457 {add = true} : memref<512xi32, #tpu.memory_space<vmem>>[vector<16xi32>], vector<16xi32>, vector<16xi1>
      %add3A_510 = arith.addi %get3A_413, %broadcast_in_dim3A_52 : vector<16xi32>
      %neg3A_511 = arith.constant 0 : i32
      %neg3A_512 = vector.broadcast %neg3A_511 : i32 to vector<16xi32>
      %neg3A_513 = arith.subi %neg3A_512, %unique3A_462 : vector<16xi32>
      tpu.vector_store_idx %arg5[%add3A_510], %neg3A_513 masked %unique3A_461 {add = true} : memref<512xi32, #tpu.memory_space<vmem>>[vector<16xi32>], vector<16xi32>, vector<16xi1>
      %add3A_514 = arith.addi %get3A_415, %broadcast_in_dim3A_54 : vector<16xi32>
      tpu.vector_store_idx %arg5[%add3A_514], %unique3A_466 masked %unique3A_465 {add = true} : memref<512xi32, #tpu.memory_space<vmem>>[vector<16xi32>], vector<16xi32>, vector<16xi1>
      %add3A_515 = arith.addi %get3A_417, %broadcast_in_dim3A_56 : vector<16xi32>
      %neg3A_516 = arith.constant 0 : i32
      %neg3A_517 = vector.broadcast %neg3A_516 : i32 to vector<16xi32>
      %neg3A_518 = arith.subi %neg3A_517, %unique3A_470 : vector<16xi32>
      tpu.vector_store_idx %arg5[%add3A_515], %neg3A_518 masked %unique3A_469 {add = true} : memref<512xi32, #tpu.memory_space<vmem>>[vector<16xi32>], vector<16xi32>, vector<16xi1>
      %add3A_519 = arith.addi %get3A_419, %broadcast_in_dim3A_58 : vector<16xi32>
      tpu.vector_store_idx %arg5[%add3A_519], %unique3A_474 masked %unique3A_473 {add = true} : memref<512xi32, #tpu.memory_space<vmem>>[vector<16xi32>], vector<16xi32>, vector<16xi1>
      %add3A_520 = arith.addi %get3A_421, %broadcast_in_dim3A_52 : vector<16xi32>
      %neg3A_521 = arith.constant 0 : i32
      %neg3A_522 = vector.broadcast %neg3A_521 : i32 to vector<16xi32>
      %neg3A_523 = arith.subi %neg3A_522, %unique3A_478 : vector<16xi32>
      tpu.vector_store_idx %arg5[%add3A_520], %neg3A_523 masked %unique3A_477 {add = true} : memref<512xi32, #tpu.memory_space<vmem>>[vector<16xi32>], vector<16xi32>, vector<16xi1>
      %add3A_524 = arith.addi %get3A_423, %broadcast_in_dim3A_54 : vector<16xi32>
      tpu.vector_store_idx %arg5[%add3A_524], %unique3A_482 masked %unique3A_481 {add = true} : memref<512xi32, #tpu.memory_space<vmem>>[vector<16xi32>], vector<16xi32>, vector<16xi1>
      %add3A_525 = arith.addi %get3A_425, %broadcast_in_dim3A_56 : vector<16xi32>
      %neg3A_526 = arith.constant 0 : i32
      %neg3A_527 = vector.broadcast %neg3A_526 : i32 to vector<16xi32>
      %neg3A_528 = arith.subi %neg3A_527, %unique3A_486 : vector<16xi32>
      tpu.vector_store_idx %arg5[%add3A_525], %neg3A_528 masked %unique3A_485 {add = true} : memref<512xi32, #tpu.memory_space<vmem>>[vector<16xi32>], vector<16xi32>, vector<16xi1>
      %add3A_529 = arith.addi %get3A_427, %broadcast_in_dim3A_58 : vector<16xi32>
      tpu.vector_store_idx %arg5[%add3A_529], %unique3A_490 masked %unique3A_489 {add = true} : memref<512xi32, #tpu.memory_space<vmem>>[vector<16xi32>], vector<16xi32>, vector<16xi1>
      %add3A_530 = arith.constant 1 : i32
      %add3A_531 = arith.addi %add3A_311, %add3A_530 : i32
      %get3A_532 = arith.constant 0 : index
      %get3A_533 = tpu.vector_load %arg5[%get3A_532] {strides = array<i32>} : memref<512xi32, #tpu.memory_space<vmem>>, vector<16xi32>,
      %get3A_534 = arith.constant 128 : index
      %get3A_535 = tpu.vector_load %arg5[%get3A_534] {strides = array<i32>} : memref<512xi32, #tpu.memory_space<vmem>>, vector<16xi32>,
      %add3A_536 = arith.addi %get3A_533, %get3A_535 : vector<16xi32>
      %get3A_537 = arith.constant 256 : index
      %get3A_538 = tpu.vector_load %arg5[%get3A_537] {strides = array<i32>} : memref<512xi32, #tpu.memory_space<vmem>>, vector<16xi32>,
      %get3A_539 = arith.constant 384 : index
      %get3A_540 = tpu.vector_load %arg5[%get3A_539] {strides = array<i32>} : memref<512xi32, #tpu.memory_space<vmem>>, vector<16xi32>,
      %add3A_541 = arith.addi %get3A_538, %get3A_540 : vector<16xi32>
      %add3A_542 = arith.addi %add3A_536, %add3A_541 : vector<16xi32>
      %mul3A_543 = arith.constant 128 : i32
      %mul3A_544 = vector.broadcast %mul3A_543 : i32 to vector<16xi32>
      %mul3A_545 = arith.muli %add3A_542, %mul3A_544 : vector<16xi32>
      %add3A_546 = arith.addi %mul3A_545, %sub3A_61 : vector<16xi32>
      %get3A_547 = arith.constant 16 : index
      %get3A_548 = tpu.vector_load %arg5[%get3A_547] {strides = array<i32>} : memref<512xi32, #tpu.memory_space<vmem>>, vector<16xi32>,
      %get3A_549 = arith.constant 144 : index
      %get3A_550 = tpu.vector_load %arg5[%get3A_549] {strides = array<i32>} : memref<512xi32, #tpu.memory_space<vmem>>, vector<16xi32>,
      %add3A_551 = arith.addi %get3A_548, %get3A_550 : vector<16xi32>
      %get3A_552 = arith.constant 272 : index
      %get3A_553 = tpu.vector_load %arg5[%get3A_552] {strides = array<i32>} : memref<512xi32, #tpu.memory_space<vmem>>, vector<16xi32>,
      %get3A_554 = arith.constant 400 : index
      %get3A_555 = tpu.vector_load %arg5[%get3A_554] {strides = array<i32>} : memref<512xi32, #tpu.memory_space<vmem>>, vector<16xi32>,
      %add3A_556 = arith.addi %get3A_553, %get3A_555 : vector<16xi32>
      %add3A_557 = arith.addi %add3A_551, %add3A_556 : vector<16xi32>
      %mul3A_558 = arith.constant 128 : i32
      %mul3A_559 = vector.broadcast %mul3A_558 : i32 to vector<16xi32>
      %mul3A_560 = arith.muli %add3A_557, %mul3A_559 : vector<16xi32>
      %add3A_561 = arith.addi %mul3A_560, %sub3A_64 : vector<16xi32>
      %max3A_562 = arith.maxsi %add3A_546, %add3A_561 : vector<16xi32>
      %get3A_563 = arith.constant 32 : index
      %get3A_564 = tpu.vector_load %arg5[%get3A_563] {strides = array<i32>} : memref<512xi32, #tpu.memory_space<vmem>>, vector<16xi32>,
      %get3A_565 = arith.constant 160 : index
      %get3A_566 = tpu.vector_load %arg5[%get3A_565] {strides = array<i32>} : memref<512xi32, #tpu.memory_space<vmem>>, vector<16xi32>,
      %add3A_567 = arith.addi %get3A_564, %get3A_566 : vector<16xi32>
      %get3A_568 = arith.constant 288 : index
      %get3A_569 = tpu.vector_load %arg5[%get3A_568] {strides = array<i32>} : memref<512xi32, #tpu.memory_space<vmem>>, vector<16xi32>,
      %get3A_570 = arith.constant 416 : index
      %get3A_571 = tpu.vector_load %arg5[%get3A_570] {strides = array<i32>} : memref<512xi32, #tpu.memory_space<vmem>>, vector<16xi32>,
      %add3A_572 = arith.addi %get3A_569, %get3A_571 : vector<16xi32>
      %add3A_573 = arith.addi %add3A_567, %add3A_572 : vector<16xi32>
      %mul3A_574 = arith.constant 128 : i32
      %mul3A_575 = vector.broadcast %mul3A_574 : i32 to vector<16xi32>
      %mul3A_576 = arith.muli %add3A_573, %mul3A_575 : vector<16xi32>
      %add3A_577 = arith.addi %mul3A_576, %sub3A_67 : vector<16xi32>
      %max3A_578 = arith.maxsi %max3A_562, %add3A_577 : vector<16xi32>
      %get3A_579 = arith.constant 48 : index
      %get3A_580 = tpu.vector_load %arg5[%get3A_579] {strides = array<i32>} : memref<512xi32, #tpu.memory_space<vmem>>, vector<16xi32>,
      %get3A_581 = arith.constant 176 : index
      %get3A_582 = tpu.vector_load %arg5[%get3A_581] {strides = array<i32>} : memref<512xi32, #tpu.memory_space<vmem>>, vector<16xi32>,
      %add3A_583 = arith.addi %get3A_580, %get3A_582 : vector<16xi32>
      %get3A_584 = arith.constant 304 : index
      %get3A_585 = tpu.vector_load %arg5[%get3A_584] {strides = array<i32>} : memref<512xi32, #tpu.memory_space<vmem>>, vector<16xi32>,
      %get3A_586 = arith.constant 432 : index
      %get3A_587 = tpu.vector_load %arg5[%get3A_586] {strides = array<i32>} : memref<512xi32, #tpu.memory_space<vmem>>, vector<16xi32>,
      %add3A_588 = arith.addi %get3A_585, %get3A_587 : vector<16xi32>
      %add3A_589 = arith.addi %add3A_583, %add3A_588 : vector<16xi32>
      %mul3A_590 = arith.constant 128 : i32
      %mul3A_591 = vector.broadcast %mul3A_590 : i32 to vector<16xi32>
      %mul3A_592 = arith.muli %add3A_589, %mul3A_591 : vector<16xi32>
      %add3A_593 = arith.addi %mul3A_592, %sub3A_70 : vector<16xi32>
      %max3A_594 = arith.maxsi %max3A_578, %add3A_593 : vector<16xi32>
      %get3A_595 = arith.constant 64 : index
      %get3A_596 = tpu.vector_load %arg5[%get3A_595] {strides = array<i32>} : memref<512xi32, #tpu.memory_space<vmem>>, vector<16xi32>,
      %get3A_597 = arith.constant 192 : index
      %get3A_598 = tpu.vector_load %arg5[%get3A_597] {strides = array<i32>} : memref<512xi32, #tpu.memory_space<vmem>>, vector<16xi32>,
      %add3A_599 = arith.addi %get3A_596, %get3A_598 : vector<16xi32>
      %get3A_600 = arith.constant 320 : index
      %get3A_601 = tpu.vector_load %arg5[%get3A_600] {strides = array<i32>} : memref<512xi32, #tpu.memory_space<vmem>>, vector<16xi32>,
      %get3A_602 = arith.constant 448 : index
      %get3A_603 = tpu.vector_load %arg5[%get3A_602] {strides = array<i32>} : memref<512xi32, #tpu.memory_space<vmem>>, vector<16xi32>,
      %add3A_604 = arith.addi %get3A_601, %get3A_603 : vector<16xi32>
      %add3A_605 = arith.addi %add3A_599, %add3A_604 : vector<16xi32>
      %mul3A_606 = arith.constant 128 : i32
      %mul3A_607 = vector.broadcast %mul3A_606 : i32 to vector<16xi32>
      %mul3A_608 = arith.muli %add3A_605, %mul3A_607 : vector<16xi32>
      %add3A_609 = arith.addi %mul3A_608, %sub3A_73 : vector<16xi32>
      %max3A_610 = arith.maxsi %max3A_594, %add3A_609 : vector<16xi32>
      %get3A_611 = arith.constant 80 : index
      %get3A_612 = tpu.vector_load %arg5[%get3A_611] {strides = array<i32>} : memref<512xi32, #tpu.memory_space<vmem>>, vector<16xi32>,
      %get3A_613 = arith.constant 208 : index
      %get3A_614 = tpu.vector_load %arg5[%get3A_613] {strides = array<i32>} : memref<512xi32, #tpu.memory_space<vmem>>, vector<16xi32>,
      %add3A_615 = arith.addi %get3A_612, %get3A_614 : vector<16xi32>
      %get3A_616 = arith.constant 336 : index
      %get3A_617 = tpu.vector_load %arg5[%get3A_616] {strides = array<i32>} : memref<512xi32, #tpu.memory_space<vmem>>, vector<16xi32>,
      %get3A_618 = arith.constant 464 : index
      %get3A_619 = tpu.vector_load %arg5[%get3A_618] {strides = array<i32>} : memref<512xi32, #tpu.memory_space<vmem>>, vector<16xi32>,
      %add3A_620 = arith.addi %get3A_617, %get3A_619 : vector<16xi32>
      %add3A_621 = arith.addi %add3A_615, %add3A_620 : vector<16xi32>
      %mul3A_622 = arith.constant 128 : i32
      %mul3A_623 = vector.broadcast %mul3A_622 : i32 to vector<16xi32>
      %mul3A_624 = arith.muli %add3A_621, %mul3A_623 : vector<16xi32>
      %add3A_625 = arith.addi %mul3A_624, %sub3A_76 : vector<16xi32>
      %max3A_626 = arith.maxsi %max3A_610, %add3A_625 : vector<16xi32>
      %get3A_627 = arith.constant 96 : index
      %get3A_628 = tpu.vector_load %arg5[%get3A_627] {strides = array<i32>} : memref<512xi32, #tpu.memory_space<vmem>>, vector<16xi32>,
      %get3A_629 = arith.constant 224 : index
      %get3A_630 = tpu.vector_load %arg5[%get3A_629] {strides = array<i32>} : memref<512xi32, #tpu.memory_space<vmem>>, vector<16xi32>,
      %add3A_631 = arith.addi %get3A_628, %get3A_630 : vector<16xi32>
      %get3A_632 = arith.constant 352 : index
      %get3A_633 = tpu.vector_load %arg5[%get3A_632] {strides = array<i32>} : memref<512xi32, #tpu.memory_space<vmem>>, vector<16xi32>,
      %get3A_634 = arith.constant 480 : index
      %get3A_635 = tpu.vector_load %arg5[%get3A_634] {strides = array<i32>} : memref<512xi32, #tpu.memory_space<vmem>>, vector<16xi32>,
      %add3A_636 = arith.addi %get3A_633, %get3A_635 : vector<16xi32>
      %add3A_637 = arith.addi %add3A_631, %add3A_636 : vector<16xi32>
      %mul3A_638 = arith.constant 128 : i32
      %mul3A_639 = vector.broadcast %mul3A_638 : i32 to vector<16xi32>
      %mul3A_640 = arith.muli %add3A_637, %mul3A_639 : vector<16xi32>
      %add3A_641 = arith.addi %mul3A_640, %sub3A_79 : vector<16xi32>
      %max3A_642 = arith.maxsi %max3A_626, %add3A_641 : vector<16xi32>
      %get3A_643 = arith.constant 112 : index
      %get3A_644 = tpu.vector_load %arg5[%get3A_643] {strides = array<i32>} : memref<512xi32, #tpu.memory_space<vmem>>, vector<16xi32>,
      %get3A_645 = arith.constant 240 : index
      %get3A_646 = tpu.vector_load %arg5[%get3A_645] {strides = array<i32>} : memref<512xi32, #tpu.memory_space<vmem>>, vector<16xi32>,
      %add3A_647 = arith.addi %get3A_644, %get3A_646 : vector<16xi32>
      %get3A_648 = arith.constant 368 : index
      %get3A_649 = tpu.vector_load %arg5[%get3A_648] {strides = array<i32>} : memref<512xi32, #tpu.memory_space<vmem>>, vector<16xi32>,
      %get3A_650 = arith.constant 496 : index
      %get3A_651 = tpu.vector_load %arg5[%get3A_650] {strides = array<i32>} : memref<512xi32, #tpu.memory_space<vmem>>, vector<16xi32>,
      %add3A_652 = arith.addi %get3A_649, %get3A_651 : vector<16xi32>
      %add3A_653 = arith.addi %add3A_647, %add3A_652 : vector<16xi32>
      %mul3A_654 = arith.constant 128 : i32
      %mul3A_655 = vector.broadcast %mul3A_654 : i32 to vector<16xi32>
      %mul3A_656 = arith.muli %add3A_653, %mul3A_655 : vector<16xi32>
      %add3A_657 = arith.addi %mul3A_656, %sub3A_82 : vector<16xi32>
      %max3A_658 = arith.maxsi %max3A_642, %add3A_657 : vector<16xi32>
      %sort3A_659 = arith.constant dense<true> : vector<16xi1>
      %sort3A_660, %sort3A_661, %sort3A_662 = tpu.sort %max3A_658, %max3A_658 masked %sort3A_659 : (vector<16xi32>, vector<16xi32>, vector<16xi1>) -> (vector<16xi1>, vector<16xi32>, vector<16xi32>)
      %and3A_663 = arith.constant 127 : i32
      %and3A_664 = vector.broadcast %and3A_663 : i32 to vector<16xi32>
      %and3A_665 = arith.andi %sort3A_661, %and3A_664 : vector<16xi32>
      %sub3A_666 = arith.constant 127 : i32
      %sub3A_667 = vector.broadcast %sub3A_666 : i32 to vector<16xi32>
      %sub3A_668 = arith.subi %sub3A_667, %and3A_665 : vector<16xi32>
      %broadcast_in_dim3A_669 = vector.broadcast %add3A_531 : i32 to vector<16xi32>
      tpu.vector_store_idx %arg6[%broadcast_in_dim3A_669], %sub3A_668 masked %eq3A_42 : memref<80xi32, #tpu.memory_space<vmem>>[vector<16xi32>], vector<16xi32>, vector<16xi1>
    }
    %scan3A_306 = arith.constant 64 : i32
    %delay3A = arith.constant 100 : i32
    tpu.delay %delay3A
    "tpu.region"() ({
      %run_scoped3A = tpu.sem_alloc : memref<!tpu.dma_semaphore, #tpu.memory_space<semaphore_mem>>
      %dma_start3A = arith.constant 0 : i32
      %dma_start3A_307 = tpu.memref_slice %arg3[%add3A, %dma_start3A] : memref<32x80xi32, #tpu.memory_space<hbm>> -> memref<1x80xi32, #tpu.memory_space<hbm>>
      %dma_start3A_308 = tpu.memref_squeeze %dma_start3A_307 : memref<1x80xi32, #tpu.memory_space<hbm>> -> memref<80xi32, #tpu.memory_space<hbm>>
      %dma_start3A_309 = arith.constant 0 : i32
      %dma_start3A_310 = tpu.memref_slice %arg3[%add3A, %dma_start3A_309] : memref<32x80xi32, #tpu.memory_space<hbm>> -> memref<1x80xi32, #tpu.memory_space<hbm>>
      %dma_start3A_311 = tpu.memref_squeeze %dma_start3A_310 : memref<1x80xi32, #tpu.memory_space<hbm>> -> memref<80xi32, #tpu.memory_space<hbm>>
      tpu.enqueue_dma source(%arg6 : memref<80xi32, #tpu.memory_space<vmem>>) target(%dma_start3A_311 : memref<80xi32, #tpu.memory_space<hbm>>) target_semaphore(%run_scoped3A : memref<!tpu.dma_semaphore, #tpu.memory_space<semaphore_mem>>)
      %dma_wait3A = arith.constant 0 : i32
      %dma_wait3A_312 = tpu.memref_slice %arg3[%add3A, %dma_wait3A] : memref<32x80xi32, #tpu.memory_space<hbm>> -> memref<1x80xi32, #tpu.memory_space<hbm>>
      %dma_wait3A_313 = tpu.memref_squeeze %dma_wait3A_312 : memref<1x80xi32, #tpu.memory_space<hbm>> -> memref<80xi32, #tpu.memory_space<hbm>>
      %dma_wait3A_314 = arith.constant 0 : i32
      %dma_wait3A_315 = tpu.memref_slice %arg3[%add3A, %dma_wait3A_314] : memref<32x80xi32, #tpu.memory_space<hbm>> -> memref<1x80xi32, #tpu.memory_space<hbm>>
      %dma_wait3A_316 = tpu.memref_squeeze %dma_wait3A_315 : memref<1x80xi32, #tpu.memory_space<hbm>> -> memref<80xi32, #tpu.memory_space<hbm>>
      tpu.wait_dma2 semaphore(%run_scoped3A : memref<!tpu.dma_semaphore, #tpu.memory_space<semaphore_mem>>) src(%arg6 : memref<80xi32, #tpu.memory_space<vmem>>) dst(%dma_wait3A_316 : memref<80xi32, #tpu.memory_space<hbm>>)
      tpu.yield
    }) : () -> ()
    return
  }
}

</mosaic_0001>

<sc_bundles>
// kernel: kernel.3.cloned.1.call-start
scs
__scs_entry_jumppad:
0x0: {  	(pc) =	sbr.rel $0x88, $3  }
0x1: {  	(tag) =	ssettag $0x0;
	lr =	simm.s32 $0x1  }
0x2: {  	[smem:$0x3FA0] =	sst lr;
	_ =	strace $0xD0000000  }
0x3: {  	_ = 	snop  }
0x4: {  	_ = 	snop  }
0x5: {  	_ = 	snop  }
0x6: {  	_ = 	snop  }
0x7: {  	_ = 	snop  }
__scs_overlays_trampoline_lowered:
0x8: {  	[smem:$0x3FAF] =	sst s0  }
0x9: {  	[smem:$0x3FB0] =	sst s1  }
0xa: {  	[smem:$0x3FB1] =	sst s2  }
0xb: {  	[smem:$0x3FB2] =	sst s3  }
0xc: {  	[smem:$0x3FB3] =	sst s4  }
0xd: {  	[smem:$0x3FB4] =	sst s5  }
0xe: {  	[smem:$0x3FB5] =	sst s6  }
0xf: {  	[smem:$0x3FB6] =	sst s7  }
0x10: {  	[smem:$0x3FB7] =	sst s8  }
0x11: {  	[smem:$0x3FB8] =	sst s9;
	s0 =	simm.s32 @!p0 $0x0  }
0x12: {  	s1 =	sld [smem:$0x3F9E];
	s0 =	simm.s32 @p0 $0x1  }
0x13: {  	[smem:$0x3FB9] =	sst s0;
	s0 =	simm.s32 @!p1 $0x0  }
0x14: {  	s2 =	sld [smem:$0x3F9D];
	s0 =	simm.s32 @p1 $0x1  }
0x15: {  	[smem:$0x3FBA] =	sst s0;
	s0 =	simm.s32 @!p2 $0x0  }
0x16: {  	s3 =	sld [smem:$0x3FDB];
	s0 =	simm.s32 @p2 $0x1  }
0x17: {  	s4 =	simm.s32 $0x1BF5;
	[smem:$0x3FBC] =	sst s0  }
0x18: {  	s0 =	sld [smem:$0x3F9F];
	_ =	swait.ge [sflag:s4], $0x0  }
0x19: {  	s7 =	sld [smem:$0x3FA0]  }
0x1a: {  	s8 =	sadd.s32 $0xFFFFE003, lr  }
0x1b: {  	s9 =	sadd.s32 $0xFFFFFEF7, lr;
	s5 =	simm.s32 $0xFFFFFFFF;
	p2 =	slt.u32 s8, $0xFFFFF086  }
0x1c: {  	p1 =	slt.u32 s9, $0xF7A;
	s5 =	simm.s32 @!p2 $0x0  }
0x1d: {  	s5 =	simm.s32 @p1 $0x1;
	p0 =	seq.s32 s7, s2  }
0x1e: {  	s7 =	smul.u32 @!p0 $0xF7A, s2;
	p2 =	seq.s32 @!p0 s5, $0x0  }
0x1f: {  	s9 =	smul.u32 $0xF7A, s1;
	s8 =	simm.s32 @!p0 $0x1BF5;
	p2 =	por !p2, p0  }
0x20: {  	[sflag:s8] =	ssyncset.s32 @!p0 $0xFFFFF086;
	s6 =	sadd.s32 @!p0 s3, s7;
	s7 =	simm.s32 @!p0 $0x108  }
0x21: {  	s3 =	sadd.s32 s3, s9;
	s6 =	sadd.s32 @!p0 $0x88, s6;
	s7 =	simm.s32 @p2 $0x1082  }
0x22: {  	[simem:s7], [sflag:s8] =	dma.local @!p0 [hbm:s6], $0xF7A  }
0x23: {  	s9 =	sor.u32 $0xD0000000, s2;
	s6 =	simm.s32 $0x108;
	_ =	swait.ge @!p0 [sflag:s8], $0x0  }
0x24: {  	s3 =	sadd.s32 $0x88, s3;
	s6 =	simm.s32 @!p1 $0x1082;
	[sflag:s4] =	ssyncset.s32 $0xFFFFF086  }
0x25: {  	[simem:s6], [sflag:s4] =	dma.local [hbm:s3], $0xF7A  }
0x26: {  	[smem:$0x3FA0] =	sst s1;
	(tag) =	ssettag s2;
	_ =	strace s9  }
0x27: {  	s1 =	sld [smem:$0x3FB0]  }
0x28: {  	s2 =	sld [smem:$0x3FB1]  }
0x29: {  	s4 =	sld [smem:$0x3FB3]  }
0x2a: {  	p0 =	seq.s32 s5, $0x0;
	s5 =	sld [smem:$0x3FB4]  }
0x2b: {  	s6 =	sld [smem:$0x3FB5]  }
0x2c: {  	s7 =	sld [smem:$0x3FB6]  }
0x2d: {  	s3 =	simm.s32 $0x108;
	s8 =	sld [smem:$0x3FB7]  }
0x2e: {  	s3 =	simm.s32 @!p0 $0x1082;
	s9 =	sld [smem:$0x3FB8]  }
0x2f: {  	lr =	sadd.s32 s0, s3;
	s0 =	sld [smem:$0x3FAF]  }
0x30: {  	s3 =	sld [smem:$0x3FB2]  }
0x31: {  	[smem:$0x3FBB] =	sst s10  }
0x32: {  	s10 =	sld [smem:$0x3FB9];
	_ =	sdelay $0x3  }
0x33: {  	p0 =	seq.s32 s10, $0x1;
	s10 =	sld [smem:$0x3FBB];
	_ =	sdelay $0x3  }
0x34: {  	[smem:$0x3FBB] =	sst s10  }
0x35: {  	s10 =	sld [smem:$0x3FBA];
	_ =	sdelay $0x3  }
0x36: {  	p1 =	seq.s32 s10, $0x1;
	s10 =	sld [smem:$0x3FBB];
	_ =	sdelay $0x3  }
0x37: {  	[smem:$0x3FBB] =	sst s10  }
0x38: {  	s10 =	sld [smem:$0x3FBC]  }
0x39: {  	_ = 	snop;
	(pc) =	sbr.ind lr, $3  }
0x3a: {  	_ = 	snop  }
0x3b: {  	_ = 	snop  }
0x3c: {  	p2 =	seq.s32 s10, $0x1;
	s10 =	sld [smem:$0x3FBB]  }
0x3d: {  	_ =	shalt  }
0x3e: {  	_ =	shalt  }
0x3f: {  	_ =	shalt  }
0x40: {  	_ =	shalt  }
0x41: {  	_ =	shalt  }
0x42: {  	_ =	shalt  }
0x43: {  	_ =	shalt  }
0x44: {  	_ =	shalt  }
0x45: {  	_ =	shalt  }
0x46: {  	_ =	shalt  }
0x47: {  	_ =	shalt  }
0x48: {  	_ =	shalt  }
0x49: {  	_ =	shalt  }
0x4a: {  	_ =	shalt  }
0x4b: {  	_ =	shalt  }
0x4c: {  	_ =	shalt  }
0x4d: {  	_ =	shalt  }
0x4e: {  	_ =	shalt  }
0x4f: {  	_ =	shalt  }
0x50: {  	_ =	shalt  }
0x51: {  	_ =	shalt  }
0x52: {  	_ =	shalt  }
0x53: {  	_ =	shalt  }
0x54: {  	_ =	shalt  }
0x55: {  	_ =	shalt  }
0x56: {  	_ =	shalt  }
0x57: {  	_ =	shalt  }
0x58: {  	_ =	shalt  }
0x59: {  	_ =	shalt  }
0x5a: {  	_ =	shalt  }
0x5b: {  	_ =	shalt  }
0x5c: {  	_ =	shalt  }
0x5d: {  	_ =	shalt  }
0x5e: {  	_ =	shalt  }
0x5f: {  	_ =	shalt  }
0x60: {  	_ =	shalt  }
0x61: {  	_ =	shalt  }
0x62: {  	_ =	shalt  }
0x63: {  	_ =	shalt  }
0x64: {  	_ =	shalt  }
0x65: {  	_ =	shalt  }
0x66: {  	_ =	shalt  }
0x67: {  	_ =	shalt  }
0x68: {  	_ =	shalt  }
0x69: {  	_ =	shalt  }
0x6a: {  	_ =	shalt  }
0x6b: {  	_ =	shalt  }
0x6c: {  	_ =	shalt  }
0x6d: {  	_ =	shalt  }
0x6e: {  	_ =	shalt  }
0x6f: {  	_ =	shalt  }
0x70: {  	_ =	shalt  }
0x71: {  	_ =	shalt  }
0x72: {  	_ =	shalt  }
0x73: {  	_ =	shalt  }
0x74: {  	_ =	shalt  }
0x75: {  	_ =	shalt  }
0x76: {  	_ =	shalt  }
0x77: {  	_ =	shalt  }
0x78: {  	_ =	shalt  }
0x79: {  	_ =	shalt  }
0x7a: {  	_ =	shalt  }
0x7b: {  	_ =	shalt  }
0x7c: {  	_ =	shalt  }
0x7d: {  	_ =	shalt  }
0x7e: {  	_ =	shalt  }
0x7f: {  	_ =	shalt  }
0x80: {  	_ =	shalt  }
0x81: {  	_ =	shalt  }
0x82: {  	_ =	shalt  }
0x83: {  	_ =	shalt  }
0x84: {  	_ =	shalt  }
0x85: {  	_ =	shalt  }
0x86: {  	_ =	shalt  }
0x87: {  	_ =	shalt  }
.Lfunc_end0:
.L_simem_size_0:
called_computation_lowered:
.L_overlay_start_0:
0x88: {  	s2 =	sld [smem:$0x3FD9]  }
0x89: {  	s3 =	sld [smem:$0x3FFE];
	_ =	sdelay $0x1  }
0x8a: {  	s1 =	srdreg.scid  }
0x8b: {  	s0 =	sand.u32 $0x1, s1  }
0x8c: {  	s16 =	sshll.u32 s0, $0xA;
	s2 =	sadd.s32 s3, s2  }
0x8d: {  	s2 =	sadd.s32 s2, s16  }
0x8e: {  	[smem:$0x3FC7] =	sst s2  }
0x8f: {  	_ = 	snop  }
0x90: {  	(tm) =	ssettm $0x1  }
0x91: {  	s17 =	sld [smem:$0x3FFB];
	_ =	sdelay $0x3  }
0x92: {  	_ =	strace s17  }
0x93: {  	s2 =	sld [smem:$0x3FFC];
	_ =	sdelay $0x3  }
0x94: {  	_ =	strace s2  }
0x95: {  	s2 =	sld [smem:$0x3FFD];
	_ =	sdelay $0x3  }
0x96: {  	_ =	strace s2  }
0x97: {  	_ =	strace $0x8FFFFFFF  }
0x98: {  	s18 =	sld [smem:$0x3FDB];
	_ =	sdelay $0x1  }
0x99: {  	s19 =	simm.s32 $_scs_section_size  }
0x9a: {  	s4 =	simm.s32 $_size__tile_overlayer_lowered;
	s5 =	simm.s32 $_tile_overlayer_lowered  }
0x9b: {  	s22 =	simm.s32 $0x1BFF;
	s21 =	sshll.u32 s5, $0x1;
	s2 =	sadd.s32 s19, s18  }
0x9c: {  	s6 =	simm.s32 $0x0;
	s20 =	sshll.u32 s4, $0x1;
	s4 =	sadd.s32 s21, s2  }
0x9d: {  	[timem:s6], [sflag:s22] =	dma.local [hbm:s4], s20  }
0x9e: {  	_ =	swait.ge [sflag:s22], s20  }
0x9f: {  	s3 =	ssub.s32 $0x0, s20;
	[sflag:s22] =	ssyncset.done $0x0  }
0xa0: {  	[sflag:s22] =	ssyncadd.s32 s3;
	_ =	sdelay $0x1  }
0xa1: {  	s23 =	simm.s32 $0x1B8B  }
0xa2: {  	_ =	swait.ge [sflag:s23], $0x1  }
0xa3: {  	[sflag:s23] =	ssyncset.done $0x0  }
0xa4: {  	s25 =	simm.s32 $0x1B8E;
	s24 =	sld [smem:$0x3FFE];
	[sflag:s23] =	ssyncadd.s32 $0xFFFFFFFF  }
0xa5: {  	s26 =	simm.s32 $execute0_lowered;
	[smem:$0x3FD2] =	sst s25  }
0xa6: {  	s4 =	sshll.u32 s26, $0x1;
	_ =	strace $0x80000046;
	[dreg:$0x1] =	wrdreg $0xFFFFFFFF  }
0xa7: {  	s28 =	simm.s32 $_size_execute0_lowered;
	s2 =	sadd.s32 s2, s4;
	[dreg:$0x0] =	wrdreg $0x0  }
0xa8: {  	s4 =	sshll.u32 s28, $0x1;
	[dreg:$0x2] =	wrdreg s2  }
0xa9: {  	[dreg:$0x3] =	wrdreg s4  }
0xaa: {  	[dreg:$0x4] =	wrdreg $0xC0  }
0xab: {  	_ =	task [dreg:s6], $0x5FFFF  }
0xac: {  	[dreg:$0x1] =	wrdreg $0xFFFFFFFF  }
0xad: {  	[dreg:$0x0] =	wrdreg $0x60  }
0xae: {  	[dreg:$0x2] =	wrdreg s24  }
0xaf: {  	[dreg:$0x3] =	wrdreg $0x9  }
0xb0: {  	_ =	task.clear_ibuf [dreg:s6], $0x4FFFF;
	_ =	strace $0x90000046  }
0xb1: {  	s29 =	simm.s32 $0x9;
	_ =	strace $0x80000048  }
0xb2: {  	_ =	swait.ge [sflag:s29], $0x1  }
0xb3: {  	[sflag:s29] =	ssyncadd.s32 $0xFFFFFFFF  }
0xb4: {  	_ =	strace $0x90000048  }
0xb5: {  	_ =	sfence  }
0xb6: {  	s30 =	sld [smem:$0x0];
	_ =	sdelay $0x2  }
0xb7: {  	s31 =	sshll.u32 s1, $0xD;
	s1 =	sshrl.u32 s1, $0x2  }
0xb8: {  	s3 =	sand.u32 $0x4000, s31;
	s1 =	sadd.s32 s1, s30  }
0xb9: {  	s0 =	sor.u32 s3, s0;
	s1 =	sshll.u32 s1, $0x11  }
0xba: {  	s0 =	sor.u32 s1, s0  }
0xbb: {  	s0 =	sadd.s32 $0x8F2B, s0  }
0xbc: {  	[sflag:s0] =	ssyncadd.remote.s32 $0x1  }
0xbd: {  	_ =	sfence.sel $0xFFFF  }
0xbe: {  	[dreg:$0x0] =	wrdreg $0xFFFFFFFF;
	(pc) =	sbr.abs _section_cstart, $3  }
0xbf: {  	[dreg:$0x1] =	wrdreg $0xFFFFFFFF  }
0xc0: {  	_ =	task.clear_ibuf [dreg:s6], $0x2FFFF;
	_ =	strace $0x9FFFFFFF  }
0xc1: {  	(tm) =	ssettm $0x7FFFFFFF  }
tec
execute0_lowered:
.L_overlay_start_1:
0x0: {  	(tag) =	ssettag $0x1  }
0x1: {  	s0 =	srdreg.scid  }
0x2: {  	s7 =	rddreg [dreg:$0x0];
	s2 =	simm.s32 $0x1;
	s12 =	simm.s32 $0x3200  }
0x3: {  	s13 =	simm.s32 $0x0;
	s4 =	sand.u32 $0x1, s0;
	s0 =	stileid.u32  }
0x4: {  	s1 =	sshll.u32 s4, $0x4;
	s6 =	sand.u32 $0x3, s0;
	s11 =	sshll.u32 s0, $0x4  }
0x5: {  	s4 =	ssub.s32 $0x2, s4;
	s5 =	sor.u32 s0, s1;
	p1 =	sne.s32 s6, $0x0  }
0x6: {  	s10 =	sshll.u32 s6, $0xD;
	s1 =	rddreg [dreg:$0x1];
	p0 =	seq.s32 s5, $0x0  }
0x7: {  	s11 =	sand.u32 $0x70, s11;
	s31 =	sshrl.u32 s4, $0x1;
	p0 =	por !p1, !p0  }
0x8: {  	s3 =	sadd.s32 $0xFFFFF800, s10;
	s8 =	sshrl.u32 s5, $0x2;
	p0 =	por !p0, !p0  }
0x9: {  	s5 =	sshll.u32 s5, $0x4;
	p1 =	sgt.s32 s3, $0x0;
	s2 =	simm.s32 @!p0 $0x0  }
0xa: {  	s5 =	sand.u32 $0x180, s5;
	s3 =	simm.s32 @!p1 $0x0;
	s8 =	ssub.s32 s8, s2  }
0xb: {  	v0 =	vlaneseq.u32;
	s9 =	smin.u32 s3, $0x5000;
	s2 =	simm.s32 $0x0;
	s30 =	sshll.u32 s8, $0xF  }
0xc: {  	vm0 =	vmxor vm0, vm0;
	vm1 =	vmmov $0x1;
	v10 =	vmul.u32 $0xFFFFFFFF, v0;
	s3 =	simm.s32 $0x1;
	[smem:$0x7FF] =	sst s2;
	s8 =	sor.u32 s9, s30  }
0xd: {  	v1 =	vimm.s32 $0xFFFFFFFF;
	v2 =	vimm.s32 $0x1;
	vm3 =	vcmask $0x3F3C;
	p0 =	seq.s32 s6, $0x0;
	_ =	strace $0x80000047;
	s8 =	sshrl.u32 s8, $0x3  }
0xe: {  	vm2 =	vmmov vm0;
	v0 =	vimm.s32 $0x0;
	v3 =	vadd.s32 $0x7F, v10;
	s8 =	sadd.s32 s8, s7;
	s7 =	sadd.s32 s11, s7;
	s11 =	ssub.s32 s4, s31  }
0xf: {  	v4 =	vadd.s32 $0x6F, v10;
	v5 =	vadd.s32 $0x5F, v10;
	v6 =	vadd.s32 $0x4F, v10;
	s4 =	sadd.s32 $0x600, s8;
	s7 =	sadd.s32 s5, s7;
	s5 =	sshll.u32 s6, $0x6  }
0x10: {  	v7 =	vadd.s32 $0x3F, v10;
	v8 =	vadd.s32 $0x2F, v10;
	vm2 =	vmneg @p0 vm2;
	s8 =	smax.u32 s11, $0x1;
	s6 =	sadd.s32 $0x8600, s7;
	s7 =	ssub.s32 s10, s9  }
0x11: {  	v9 =	vadd.s32 $0x1F, v10;
	v10 =	vadd.s32 $0xF, v10;
	vm2 =	vmand vm2, vm1;
	s11 =	simm.s32 $0x3000;
	s10 =	ssub.s32 $0xA780, s10;
	s9 =	sadd.s32 $0x800, s7  }
.LBB2_1:
0x12: {  	[tilespmem:s2], [sflag:$0x1] =	stream.linear.gather [hbm4b:s4+s2], $0x3000, $0x38;
	[tilespmem:$0x3280] =	vst v63  }
0x13: {  	_ =	swait.ge [sflag:s3], $0x3000  }
0x14: {  	[sflag:s3] =	ssyncset.done $0x0  }
0x15: {  	[sflag:s3] =	ssyncadd.s32 $0xFFFFD000  }
0x16: {  	[tilespmem:$0x3000] =	vst v0  }
0x17: {  	[tilespmem:$0x3010] =	vst v0  }
0x18: {  	[tilespmem:$0x3020] =	vst v0  }
0x19: {  	[tilespmem:$0x3030] =	vst v0  }
0x1a: {  	[tilespmem:$0x3040] =	vst v0  }
0x1b: {  	[tilespmem:$0x3050] =	vst v0  }
0x1c: {  	[tilespmem:$0x3060] =	vst v0  }
0x1d: {  	[tilespmem:$0x3070] =	vst v0  }
0x1e: {  	[tilespmem:$0x3080] =	vst v0  }
0x1f: {  	[tilespmem:$0x3090] =	vst v0  }
0x20: {  	[tilespmem:$0x30A0] =	vst v0  }
0x21: {  	[tilespmem:$0x30B0] =	vst v0  }
0x22: {  	[tilespmem:$0x30C0] =	vst v0  }
0x23: {  	[tilespmem:$0x30D0] =	vst v0  }
0x24: {  	[tilespmem:$0x30E0] =	vst v0  }
0x25: {  	[tilespmem:$0x30F0] =	vst v0  }
0x26: {  	[tilespmem:$0x3100] =	vst v0  }
0x27: {  	[tilespmem:$0x3110] =	vst v0  }
0x28: {  	[tilespmem:$0x3120] =	vst v0  }
0x29: {  	[tilespmem:$0x3130] =	vst v0  }
0x2a: {  	[tilespmem:$0x3140] =	vst v0  }
0x2b: {  	[tilespmem:$0x3150] =	vst v0  }
0x2c: {  	[tilespmem:$0x3160] =	vst v0  }
0x2d: {  	[tilespmem:$0x3170] =	vst v0  }
0x2e: {  	[tilespmem:$0x3180] =	vst v0  }
0x2f: {  	[tilespmem:$0x3190] =	vst v0  }
0x30: {  	[tilespmem:$0x31A0] =	vst v0  }
0x31: {  	[tilespmem:$0x31B0] =	vst v0  }
0x32: {  	[tilespmem:$0x31C0] =	vst v0  }
0x33: {  	s19 =	sadd.s32 $0x0, s7;
	[tilespmem:$0x31D0] =	vst v0  }
0x34: {  	s17 =	sand.u32 $0x780, s2;
	s21 =	sadd.s32 $0xFFFFF800, s19;
	[tilespmem:$0x31E0] =	vst v0  }
0x35: {  	s21 =	smov.u32 @p0 s17;
	[tilespmem:$0x31F0] =	vst v0  }
0x36: {  	v22 =	vld [tilespmem:s21+$0x0];
	_ =	sdelay $0x2  }
0x37: {  	s14 =	simm.s32 $0x50;
	s15 =	simm.s32 $0x30  }
0x38: {  	s16 =	simm.s32 $0x40;
	s18 =	simm.s32 $0x20;
	s20 =	simm.s32 $0x10  }
0x39: {  	s28 =	simm.s32 $0x60;
	s22 =	sadd.s32 $0xFFFFF810, s19;
	s17 =	sand.u32 $0x790, s20;
	(xrf1) =	vunique.msk.u32 $0xffff, v22  }
0x3a: {  	s18 =	sand.u32 $0x7A0, s18;
	s20 =	sadd.s32 $0xFFFFF820, s19;
	s22 =	smov.u32 @p0 s17  }
0x3b: {  	s15 =	sand.u32 $0x7B0, s15;
	s17 =	sadd.s32 $0xFFFFF830, s19;
	s20 =	smov.u32 @p0 s18;
	v18 =	vld [tilespmem:s22+$0x0]  }
0x3c: {  	s16 =	sand.u32 $0x7C0, s16;
	s17 =	smov.u32 @p0 s15;
	s15 =	sadd.s32 $0xFFFFF840, s19;
	v20 =	vld [tilespmem:s20+$0x0]  }
0x3d: {  	s14 =	sand.u32 $0x7D0, s14;
	s18 =	sadd.s32 $0xFFFFF850, s19;
	s15 =	smov.u32 @p0 s16;
	v23 =	vld [tilespmem:s17+$0x0]  }
0x3e: {  	s18 =	smov.u32 @p0 s14;
	s14 =	sand.u32 $0x7E0, s28;
	s17 =	sadd.s32 $0xFFFFF860, s19;
	v11 =	vld [tilespmem:s15+$0x0]  }
0x3f: {  	s29 =	simm.s32 $0x70;
	v24 =	vld [tilespmem:s18+$0x0];
	s17 =	smov.u32 @p0 s14  }
0x40: {  	s14 =	sand.u32 $0x7F0, s29;
	s15 =	sadd.s32 $0xFFFFF870, s19;
	v13 =	vld [tilespmem:s17+$0x0];
	(xrf1) =	vunique.msk.u32 $0xffff, v18  }
0x41: {  	s15 =	smov.u32 @p0 s14;
	(xrf1) =	vunique.msk.u32 $0xffff, v20  }
0x42: {  	v12 =	vld [tilespmem:s15+$0x0];
	(xrf1) =	vunique.msk.u32 $0xffff, v23  }
0x43: {  	(xrf1) =	vunique.msk.u32 $0xffff, v11  }
0x44: {  	(xrf1) =	vunique.msk.u32 $0xffff, v24  }
0x45: {  	(xrf1) =	vunique.msk.u32 $0xffff, v13;
	_ =	sdelay $0x1  }
0x46: {  	_, v25, vm9 =	vpop (xrf1);
	(xrf1) =	vunique.msk.u32 $0xffff, v12;
	_ =	sdelay $0x6  }
0x47: {  	_, v16, vm6 =	vpop (xrf1)  }
0x48: {  	s30 =	simm.s32 $0xB0;
	s25 =	simm.s32 $0xA0;
	_, v14, vm4 =	vpop (xrf1)  }
0x49: {  	s31 =	simm.s32 $0xC0;
	s24 =	simm.s32 $0x90;
	s25 =	sand.u32 $0x7A0, s25;
	v19 =	vadd.s32 $0x80, v18;
	_, v15, vm5 =	vpop (xrf1)  }
0x4a: {  	s22 =	simm.s32 $0x100;
	s16 =	sadd.s32 $0x80, s7;
	s21 =	sand.u32 $0x7B0, s30;
	v21 =	vadd.s32 $0x100, v20;
	_, v17, vm7 =	vpop (xrf1)  }
0x4b: {  	s20 =	sadd.s32 $0xFFFFF800, s16;
	s19 =	sadd.s32 $0xFFFFF810, s16;
	s14 =	simm.s32 $0x80;
	v20 =	vadd.s32 $0x180, v23;
	_, v18, vm8 =	vpop (xrf1)  }
0x4c: {  	s17 =	sand.u32 $0x7C0, s31;
	s15 =	simm.s32 $0xD0;
	s23 =	sand.u32 $0x780, s14;
	v23 =	vadd.s32 $0x80, v24;
	v13 =	vadd.s32 $0x100, v13;
	[tilespmem:v22+s11+$0x0] =	vst.idx.add.s32.msk vm9, v25;
	_, v22, vm9 =	vpop (xrf1)  }
.LBB2_2:
0x4d: {  	s20 =	smov.u32 @p0 s23  }
0x4e: {  	s23 =	sadd.s32 $0xFFFFF820, s16;
	s26 =	sadd.s32 $0xFFFFF830, s16;
	[tilespmem:v19+s11+$0x0] =	vst.idx.add.s32.msk vm6, v16;
	_, v16, vm6 =	vpop (xrf1);
	s28 =	smov.u32 s22  }
0x4f: {  	s18 =	sand.u32 $0x7D0, s15;
	s29 =	sadd.s32 $0xFFFFF850, s16;
	s30 =	sadd.s32 $0xFFFFF860, s16;
	v12 =	vadd.s32 $0x180, v12;
	[tilespmem:v21+s11+$0x0] =	vst.idx.add.s32.msk vm4, v14  }
0x50: {  	s15 =	sadd.s32 $0x50, s22;
	s24 =	sand.u32 $0x790, s24;
	s23 =	smov.u32 @p0 s25;
	[tilespmem:v20+s11+$0x0] =	vst.idx.add.s32.msk vm5, v15  }
0x51: {  	s26 =	smov.u32 @p0 s21;
	s21 =	sadd.s32 $0xFFFFF840, s16;
	s29 =	smov.u32 @p0 s18;
	[tilespmem:v11+s11+$0x0] =	vst.idx.add.s32.msk vm7, v17  }
0x52: {  	s18 =	sadd.s32 $0x80, s22;
	s19 =	smov.u32 @p0 s24;
	s21 =	smov.u32 @p0 s17;
	[tilespmem:v23+s11+$0x0] =	vst.idx.add.s32.msk vm8, v18  }
0x53: {  	p1 =	sne.s32 s22, $0xF80;
	s17 =	sadd.s32 $0x70, s14;
	[tilespmem:v13+s11+$0x0] =	vst.idx.add.s32.msk vm9, v22  }
0x54: {  	s16 =	sadd.s32 $0xFFFFF870, s16;
	s17 =	sand.u32 $0x7F0, s17;
	[tilespmem:v12+s11+$0x0] =	vst.idx.add.s32.msk vm6, v16  }
0x55: {  	s16 =	smov.u32 @p0 s17;
	v22 =	vld [tilespmem:s20+$0x0]  }
0x56: {  	v14 =	vld [tilespmem:s19+$0x0]  }
0x57: {  	v15 =	vld [tilespmem:s23+$0x0]  }
0x58: {  	s17 =	sadd.s32 $0x60, s14;
	s14 =	smov.u32 s28;
	v17 =	vld [tilespmem:s26+$0x0]  }
0x59: {  	s17 =	sand.u32 $0x7E0, s17;
	v11 =	vld [tilespmem:s21+$0x0]  }
0x5a: {  	s30 =	smov.u32 @p0 s17;
	v23 =	vld [tilespmem:s29+$0x0];
	(xrf1) =	vunique.msk.u32 $0xffff, v22  }
0x5b: {  	v16 =	vld [tilespmem:s30+$0x0];
	(xrf1) =	vunique.msk.u32 $0xffff, v14  }
0x5c: {  	v12 =	vld [tilespmem:s16+$0x0];
	(xrf1) =	vunique.msk.u32 $0xffff, v15  }
0x5d: {  	(xrf1) =	vunique.msk.u32 $0xffff, v17  }
0x5e: {  	(xrf1) =	vunique.msk.u32 $0xffff, v11  }
0x5f: {  	(xrf1) =	vunique.msk.u32 $0xffff, v23  }
0x60: {  	v13 =	vadd.s32 $0x100, v16;
	(xrf1) =	vunique.msk.u32 $0xffff, v16  }
0x61: {  	(xrf1) =	vunique.msk.u32 $0xffff, v12;
	_ =	sdelay $0x6  }
0x62: {  	_, v24, vm9 =	vpop (xrf1)  }
0x63: {  	_, v16, vm6 =	vpop (xrf1)  }
.Ltmp0:
0x64: {  	v19 =	vadd.s32 $0x80, v14;
	_, v14, vm4 =	vpop (xrf1);
	(pc) =	sbr.rel @p1 .LBB2_2-.Ltmp0, $4  }
0x65: {  	s22 =	sadd.s32 $0x20, s14;
	s19 =	sadd.s32 $0x30, s14;
	s16 =	sadd.s32 $0x40, s14;
	v21 =	vadd.s32 $0x100, v15;
	_, v15, vm5 =	vpop (xrf1)  }
0x66: {  	s24 =	sadd.s32 $0x10, s14;
	s23 =	sand.u32 $0x780, s14;
	s17 =	sand.u32 $0x7C0, s16;
	v20 =	vadd.s32 $0x180, v17;
	_, v17, vm7 =	vpop (xrf1)  }
0x67: {  	s25 =	sand.u32 $0x7A0, s22;
	s21 =	sand.u32 $0x7B0, s19;
	s16 =	sadd.s32 s14, s7;
	_, v18, vm8 =	vpop (xrf1)  }
0x68: {  	s22 =	smov.u32 s18;
	s20 =	sadd.s32 $0xFFFFF800, s16;
	s19 =	sadd.s32 $0xFFFFF810, s16;
	v23 =	vadd.s32 $0x80, v23;
	[tilespmem:v22+s11+$0x0] =	vst.idx.add.s32.msk vm9, v24;
	_, v22, vm9 =	vpop (xrf1)  }
0x69: {  	_ =	sdelay $0x4  }
0x6a: {  	[tilespmem:v19+s11+$0x0] =	vst.idx.add.s32.msk vm6, v16;
	_, v16, vm6 =	vpop (xrf1)  }
0x6b: {  	v12 =	vadd.s32 $0x180, v12;
	[tilespmem:v21+s11+$0x0] =	vst.idx.add.s32.msk vm4, v14  }
0x6c: {  	[tilespmem:v20+s11+$0x0] =	vst.idx.add.s32.msk vm5, v15  }
0x6d: {  	[tilespmem:v11+s11+$0x0] =	vst.idx.add.s32.msk vm7, v17  }
0x6e: {  	[tilespmem:v23+s11+$0x0] =	vst.idx.add.s32.msk vm8, v18  }
0x6f: {  	[tilespmem:v13+s11+$0x0] =	vst.idx.add.s32.msk vm9, v22  }
0x70: {  	s20 =	smov.u32 @p0 s23;
	s18 =	sand.u32 $0x790, s24;
	[tilespmem:v12+s11+$0x0] =	vst.idx.add.s32.msk vm6, v16  }
0x71: {  	s22 =	sadd.s32 $0xFFFFF820, s16;
	s19 =	smov.u32 @p0 s18;
	v11 =	vld [tilespmem:s20+$0x0]  }
0x72: {  	s15 =	sand.u32 $0x7D0, s15;
	s18 =	sadd.s32 $0xFFFFF830, s16;
	s22 =	smov.u32 @p0 s25;
	v12 =	vld [tilespmem:s19+$0x0]  }
0x73: {  	s30 =	sadd.s32 $0x60, s14;
	s18 =	smov.u32 @p0 s21;
	s20 =	sadd.s32 $0xFFFFF840, s16;
	v13 =	vld [tilespmem:s22+$0x0]  }
0x74: {  	s31 =	sadd.s32 $0x70, s14;
	s19 =	sadd.s32 $0xFFFFF850, s16;
	v14 =	vld [tilespmem:s18+$0x0];
	s20 =	smov.u32 @p0 s17  }
0x75: {  	s21 =	sadd.s32 $0xFFFFF860, s16;
	s19 =	smov.u32 @p0 s15;
	s15 =	sand.u32 $0x7E0, s30;
	v15 =	vld [tilespmem:s20+$0x0]  }
0x76: {  	s14 =	sand.u32 $0x7F0, s31;
	s16 =	sadd.s32 $0xFFFFF870, s16;
	s21 =	smov.u32 @p0 s15;
	v16 =	vld [tilespmem:s19+$0x0];
	(xrf1) =	vunique.msk.u32 $0xffff, v11  }
0x77: {  	s16 =	smov.u32 @p0 s14;
	v17 =	vld [tilespmem:s21+$0x0];
	(xrf1) =	vunique.msk.u32 $0xffff, v12  }
0x78: {  	v18 =	vld [tilespmem:s16+$0x0];
	(xrf1) =	vunique.msk.u32 $0xffff, v13  }
0x79: {  	(xrf1) =	vunique.msk.u32 $0xffff, v14  }
0x7a: {  	(xrf1) =	vunique.msk.u32 $0xffff, v15  }
0x7b: {  	(xrf1) =	vunique.msk.u32 $0xffff, v16  }
0x7c: {  	(xrf1) =	vunique.msk.u32 $0xffff, v17  }
0x7d: {  	(xrf1) =	vunique.msk.u32 $0xffff, v18;
	_ =	sdelay $0x6  }
0x7e: {  	_, v57, vm4 =	vpop (xrf1)  }
0x7f: {  	_, v20, vm5 =	vpop (xrf1)  }
0x80: {  	v12 =	vadd.s32 $0x80, v12;
	_, v58, vm15 =	vpop (xrf1)  }
0x81: {  	v13 =	vadd.s32 $0x100, v13;
	_, v59, vm12 =	vpop (xrf1)  }
0x82: {  	v14 =	vadd.s32 $0x180, v14;
	_, v23, vm8 =	vpop (xrf1)  }
0x83: {  	_, v24, vm13 =	vpop (xrf1)  }
0x84: {  	[tilespmem:v11+s11+$0x0] =	vst.idx.add.s32.msk vm4, v57;
	v11 =	vadd.s32 $0x80, v16;
	_, v60, vm4 =	vpop (xrf1)  }
0x85: {  	v17 =	vadd.s32 $0x100, v17;
	[tilespmem:v12+s11+$0x0] =	vst.idx.add.s32.msk vm5, v20;
	_, v12, vm5 =	vpop (xrf1)  }
0x86: {  	v61 =	vadd.s32 $0x180, v18;
	[tilespmem:v13+s11+$0x0] =	vst.idx.add.s32.msk vm15, v58  }
0x87: {  	[tilespmem:v14+s11+$0x0] =	vst.idx.add.s32.msk vm12, v59  }
0x88: {  	[tilespmem:v15+s11+$0x0] =	vst.idx.add.s32.msk vm8, v23  }
0x89: {  	[tilespmem:v11+s11+$0x0] =	vst.idx.add.s32.msk vm13, v24  }
0x8a: {  	[tilespmem:v17+s11+$0x0] =	vst.idx.add.s32.msk vm4, v60  }
0x8b: {  	[tilespmem:v61+s11+$0x0] =	vst.idx.add.s32.msk vm5, v12  }
0x8c: {  	v11 =	vld [tilespmem:$0x800]  }
0x8d: {  	v12 =	vld [tilespmem:$0x0];
	_ =	sdelay $0x3  }
0x8e: {  	v11 =	vadd.s32 $0x80, v11;
	_ =	sdelay $0x3  }
0x8f: {  	[tilespmem:v12+s11+$0x0] =	vst.idx.add.s32.msk vm2, v1  }
0x90: {  	[tilespmem:v11+s11+$0x0] =	vst.idx.add.s32.msk vm2, v2  }
0x91: {  	v11 =	vld [tilespmem:$0x3000]  }
0x92: {  	v12 =	vld [tilespmem:$0x3080]  }
0x93: {  	v13 =	vld [tilespmem:$0x3100]  }
0x94: {  	v14 =	vld [tilespmem:$0x3180]  }
0x95: {  	v15 =	vld [tilespmem:$0x3010]  }
0x96: {  	v16 =	vld [tilespmem:$0x3090]  }
0x97: {  	v17 =	vld [tilespmem:$0x3110]  }
0x98: {  	v62 =	vld [tilespmem:$0x3190]  }
0x99: {  	v19 =	vld [tilespmem:$0x3020]  }
0x9a: {  	v20 =	vld [tilespmem:$0x30A0]  }
0x9b: {  	v21 =	vld [tilespmem:$0x3120]  }
0x9c: {  	v23 =	vld [tilespmem:$0x3030]  }
0x9d: {  	v24 =	vld [tilespmem:$0x30B0]  }
0x9e: {  	v27 =	vld [tilespmem:$0x3040]  }
0x9f: {  	v28 =	vld [tilespmem:$0x30C0]  }
0xa0: {  	v36 =	vld [tilespmem:$0x3060]  }
0xa1: {  	v38 =	vld [tilespmem:$0x30E0]  }
0xa2: {  	v44 =	vld [tilespmem:$0x3070]  }
0xa3: {  	v47 =	vld [tilespmem:$0x30F0]  }
0xa4: {  	v22 =	vld [tilespmem:$0x31A0]  }
0xa5: {  	v25 =	vld [tilespmem:$0x3130]  }
0xa6: {  	v26 =	vld [tilespmem:$0x31B0];
	v11 =	vadd.s32 v11, v12;
	v63 =	vadd.s32 v15, v16;
	v34 =	vadd.s32 v19, v20  }
0xa7: {  	v29 =	vld [tilespmem:$0x3140];
	v37 =	vadd.s32 v23, v24;
	v42 =	vadd.s32 v27, v28;
	v51 =	vadd.s32 v36, v38  }
0xa8: {  	v31 =	vld [tilespmem:$0x3050];
	v54 =	vadd.s32 v44, v47;
	v11 =	vadd.s32 v13, v11;
	v12 =	vadd.s32 v17, v63  }
0xa9: {  	v32 =	vld [tilespmem:$0x30D0];
	v16 =	vadd.s32 v21, v34;
	v11 =	vadd.s32 v14, v11;
	v12 =	vadd.s32 v62, v12  }
0xaa: {  	v30 =	vld [tilespmem:$0x31C0];
	v40 =	vadd.s32 v25, v37;
	v11 =	vshll.u32 v11, $0x7;
	v12 =	vshll.u32 v12, $0x7  }
0xab: {  	v33 =	vld [tilespmem:$0x3150];
	v16 =	vadd.s32 v22, v16;
	v11 =	vor.u32 v3, v11;
	v12 =	vor.u32 v4, v12  }
0xac: {  	v35 =	vld [tilespmem:$0x31D0];
	v21 =	vadd.s32 v29, v42;
	v39 =	vshll.u32 v16, $0x7;
	vm4 =	vgt.s32 v11, v12  }
0xad: {  	v41 =	vld [tilespmem:$0x3160];
	v16 =	vadd.s32 v26, v40;
	v11 =	vsel vm4, v11, v12;
	v12 =	vor.u32 v5, v39  }
0xae: {  	v43 =	vld [tilespmem:$0x31E0];
	v13 =	vadd.s32 v31, v32;
	v16 =	vshll.u32 v16, $0x7;
	vm4 =	vgt.s32 v11, v12  }
0xaf: {  	v48 =	vld [tilespmem:$0x3170];
	v46 =	vadd.s32 v30, v21;
	v45 =	vor.u32 v6, v16;
	v11 =	vsel vm4, v11, v12  }
0xb0: {  	v50 =	vld [tilespmem:$0x31F0];
	v13 =	vadd.s32 v33, v13;
	v16 =	vshll.u32 v46, $0x7;
	vm4 =	vgt.s32 v11, v45  }
0xb1: {  	v13 =	vadd.s32 v35, v13;
	v49 =	vor.u32 v7, v16;
	v11 =	vsel vm4, v11, v45  }
0xb2: {  	v53 =	vadd.s32 v41, v51;
	v52 =	vshll.u32 v13, $0x7;
	vm4 =	vgt.s32 v11, v49  }
0xb3: {  	v13 =	vadd.s32 v43, v53;
	v12 =	vor.u32 v8, v52;
	v11 =	vsel vm4, v11, v49  }
0xb4: {  	v15 =	vadd.s32 v48, v54;
	v13 =	vshll.u32 v13, $0x7;
	vm4 =	vgt.s32 v11, v12  }
0xb5: {  	v56 =	vadd.s32 v50, v15;
	v55 =	vor.u32 v9, v13;
	v11 =	vsel vm4, v11, v12  }
0xb6: {  	v13 =	vshll.u32 v56, $0x7;
	vm4 =	vgt.s32 v11, v55  }
0xb7: {  	v57 =	vor.u32 v10, v13;
	v11 =	vsel vm4, v11, v55  }
0xb8: {  	vm4 =	vgt.s32 v11, v57  }
0xb9: {  	v11 =	vsel vm4, v11, v57  }
0xba: {  	(xrf1) =	vsort.ascd.msk.u32 $0xffff, v11, v11;
	_ =	sdelay $0xc  }
0xbb: {  	s18 =	sadd.s32 $0x1, s5  }
0xbc: {  	s14 =	sadd.s32 $0xFFFFFFFF, s18;
	v11, _, _ =	vpop (xrf1)  }
0xbd: {  	s15 =	sadd.s32 $0xFFFF6000, s10;
	p1 =	sgt.u32 s14, $0xEF;
	s16 =	smov.u32 s9;
	v11 =	vandn.u32 $0x7F, v11  }
0xbe: {  	p2 =	slt.u32 s14, $0x10;
	s14 =	sadd.s32 $0xFFFFF000, s9;
	s16 =	smov.u32 @p1 s10;
	[tilespmem:v0+s12+$0x0] =	vst.idx.msk vm3, v11  }
0xbf: {  	s14 =	smov.u32 @p2 s15;
	v11 =	vld [tilespmem:s16+$0xFFFFFFF0]  }
0xc0: {  	v58 =	vld [tilespmem:s14+$0x80]  }
0xc1: {  	s19 =	sor.u32 $0x70, s16;
	vm4 =	vmmov vm0;
	v59 =	vld [tilespmem:s14+$0x0]  }
0xc2: {  	vm4 =	vmneg @p2 vm4;
	v60 =	vld [tilespmem:s19+$0x0]  }
0xc3: {  	vm5 =	vmmov vm0;
	vm4 =	vmand vm4, vm1  }
0xc4: {  	vm5 =	vmneg @p1 vm5  }
0xc5: {  	vm5 =	vmand vm5, vm3;
	v12 =	vadd.s32 $0x80, v58  }
0xc6: {  	v11 =	vadd.s32 $0x100, v11  }
0xc7: {  	v14 =	vadd.s32 $0x180, v60;
	_ =	sdelay $0x1  }
0xc8: {  	[tilespmem:v59+s11+$0x0] =	vst.idx.add.s32.msk vm4, v2  }
0xc9: {  	[tilespmem:v12+s11+$0x0] =	vst.idx.add.s32.msk vm4, v1  }
0xca: {  	[tilespmem:v11+s11+$0x0] =	vst.idx.add.s32.msk vm5, v2  }
0xcb: {  	[tilespmem:v14+s11+$0x0] =	vst.idx.add.s32.msk vm5, v1  }
0xcc: {  	v11 =	vld [tilespmem:s14+$0x0]  }
0xcd: {  	s20 =	sor.u32 $0x10, s14;
	v12 =	vld [tilespmem:s16+$0x0]  }
0xce: {  	s21 =	sor.u32 $0x10, s16;
	v13 =	vld [tilespmem:s20+$0x0]  }
0xcf: {  	s22 =	sor.u32 $0x20, s14;
	v14 =	vld [tilespmem:s21+$0x0]  }
0xd0: {  	s23 =	sor.u32 $0x20, s16;
	v61 =	vld [tilespmem:s22+$0x0]  }
0xd1: {  	s24 =	sor.u32 $0x30, s14;
	v62 =	vld [tilespmem:s23+$0x0];
	(xrf1) =	vunique.msk.u32 $0xffff, v11  }
0xd2: {  	s25 =	sor.u32 $0x30, s16;
	v63 =	vld [tilespmem:s24+$0x0];
	(xrf1) =	vunique.msk.u32 $0xffff, v12  }
0xd3: {  	s26 =	sor.u32 $0x40, s14;
	v36 =	vld [tilespmem:s25+$0x0];
	(xrf1) =	vunique.msk.u32 $0xffff, v13  }
0xd4: {  	s28 =	sor.u32 $0x40, s16;
	v37 =	vld [tilespmem:s26+$0x0];
	(xrf1) =	vunique.msk.u32 $0xffff, v14  }
0xd5: {  	s29 =	sor.u32 $0x50, s14;
	v38 =	vld [tilespmem:s28+$0x0];
	(xrf1) =	vunique.msk.u32 $0xffff, v61  }
0xd6: {  	s30 =	sor.u32 $0x50, s16;
	v39 =	vld [tilespmem:s29+$0x0];
	(xrf1) =	vunique.msk.u32 $0xffff, v62  }
0xd7: {  	s31 =	sor.u32 $0x60, s14;
	v40 =	vld [tilespmem:s30+$0x0];
	(xrf1) =	vunique.msk.u32 $0xffff, v63  }
0xd8: {  	v41 =	vld [tilespmem:s31+$0x0];
	s16 =	sor.u32 $0x60, s16;
	(xrf1) =	vunique.msk.u32 $0xffff, v36  }
0xd9: {  	s14 =	sor.u32 $0x70, s14;
	v42 =	vld [tilespmem:s16+$0x0];
	(xrf1) =	vunique.msk.u32 $0xffff, v37  }
0xda: {  	v43 =	vld [tilespmem:s14+$0x0];
	(xrf1) =	vunique.msk.u32 $0xffff, v38  }
0xdb: {  	v44 =	vld [tilespmem:s19+$0x0];
	(xrf1) =	vunique.msk.u32 $0xffff, v39  }
0xdc: {  	(xrf1) =	vunique.msk.u32 $0xffff, v40  }
0xdd: {  	(xrf1) =	vunique.msk.u32 $0xffff, v41  }
0xde: {  	(xrf1) =	vunique.msk.u32 $0xffff, v42  }
0xdf: {  	_, v45, vm4 =	vpop (xrf1);
	(xrf1) =	vunique.msk.u32 $0xffff, v43  }
0xe0: {  	_, v46, vm5 =	vpop (xrf1);
	(xrf1) =	vunique.msk.u32 $0xffff, v44  }
0xe1: {  	v12 =	vadd.s32 $0x80, v12;
	_, v47, vm14 =	vpop (xrf1)  }
0xe2: {  	v13 =	vadd.s32 $0x100, v13;
	_, v48, vm15 =	vpop (xrf1)  }
0xe3: {  	v14 =	vadd.s32 $0x180, v14;
	_, v31, vm12 =	vpop (xrf1)  }
0xe4: {  	v27 =	vsub.s32 $0x0, v45;
	_, v32, vm13 =	vpop (xrf1)  }
0xe5: {  	[tilespmem:v11+s11+$0x0] =	vst.idx.add.s32.msk vm4, v27;
	v11 =	vadd.s32 $0x80, v62;
	_, v49, vm4 =	vpop (xrf1)  }
0xe6: {  	v17 =	vadd.s32 $0x100, v63;
	v50 =	vsub.s32 $0x0, v47;
	[tilespmem:v12+s11+$0x0] =	vst.idx.add.s32.msk vm5, v46;
	_, v51, vm5 =	vpop (xrf1)  }
0xe7: {  	v52 =	vadd.s32 $0x180, v36;
	[tilespmem:v13+s11+$0x0] =	vst.idx.add.s32.msk vm14, v50;
	_, v13, vm6 =	vpop (xrf1)  }
0xe8: {  	v53 =	vsub.s32 $0x0, v31;
	[tilespmem:v14+s11+$0x0] =	vst.idx.add.s32.msk vm15, v48;
	_, v54, vm14 =	vpop (xrf1)  }
0xe9: {  	v55 =	vadd.s32 $0x80, v38;
	[tilespmem:v61+s11+$0x0] =	vst.idx.add.s32.msk vm12, v53;
	_, v15, vm8 =	vpop (xrf1)  }
0xea: {  	v56 =	vadd.s32 $0x100, v39;
	[tilespmem:v11+s11+$0x0] =	vst.idx.add.s32.msk vm13, v32;
	v11 =	vsub.s32 $0x0, v49;
	_, v57, vm15 =	vpop (xrf1)  }
0xeb: {  	[tilespmem:v17+s11+$0x0] =	vst.idx.add.s32.msk vm4, v11;
	v11 =	vadd.s32 $0x180, v40;
	_, v17, vm4 =	vpop (xrf1)  }
0xec: {  	v58 =	vsub.s32 $0x0, v13;
	[tilespmem:v52+s11+$0x0] =	vst.idx.add.s32.msk vm5, v51;
	_, v59, vm5 =	vpop (xrf1)  }
0xed: {  	v60 =	vadd.s32 $0x80, v42;
	[tilespmem:v37+s11+$0x0] =	vst.idx.add.s32.msk vm6, v58;
	_, v19, vm6 =	vpop (xrf1)  }
0xee: {  	v62 =	vadd.s32 $0x100, v43;
	v61 =	vsub.s32 $0x0, v15;
	[tilespmem:v55+s11+$0x0] =	vst.idx.add.s32.msk vm14, v54;
	_, v18, vm7 =	vpop (xrf1)  }
0xef: {  	v63 =	vadd.s32 $0x180, v44;
	[tilespmem:v56+s11+$0x0] =	vst.idx.add.s32.msk vm8, v61  }
0xf0: {  	[tilespmem:v11+s11+$0x0] =	vst.idx.add.s32.msk vm15, v57;
	v11 =	vsub.s32 $0x0, v17  }
0xf1: {  	[tilespmem:v41+s11+$0x0] =	vst.idx.add.s32.msk vm4, v11  }
0xf2: {  	v11 =	vsub.s32 $0x0, v19;
	[tilespmem:v60+s11+$0x0] =	vst.idx.add.s32.msk vm5, v59  }
0xf3: {  	s17 =	smov.u32 s10;
	[tilespmem:v62+s11+$0x0] =	vst.idx.add.s32.msk vm6, v11  }
0xf4: {  	s15 =	simm.s32 $0x2;
	s14 =	simm.s32 $0x1;
	s16 =	smov.u32 s9;
	[tilespmem:v63+s11+$0x0] =	vst.idx.add.s32.msk vm7, v18  }
.LBB2_4:
0xf5: {  	p1 =	sne.s32 s15, $0x40;
	v11 =	vld [tilespmem:$0x30D0];
	s16 =	sadd.s32 $0x80, s16;
	s17 =	sadd.s32 $0xFFFFFF80, s17  }
0xf6: {  	s21 =	smov.u32 s15;
	s15 =	sadd.s32 $0x1, s15;
	v12 =	vld [tilespmem:$0x3150]  }
0xf7: {  	v13 =	vld [tilespmem:$0x31D0]  }
0xf8: {  	v14 =	vld [tilespmem:$0x3050]  }
0xf9: {  	v15 =	vld [tilespmem:$0x3130]  }
0xfa: {  	v16 =	vld [tilespmem:$0x31B0]  }
0xfb: {  	v17 =	vld [tilespmem:$0x30B0]  }
0xfc: {  	v18 =	vld [tilespmem:$0x3030]  }
0xfd: {  	v19 =	vld [tilespmem:$0x31A0];
	v11 =	vadd.s32 v14, v11  }
0xfe: {  	v14 =	vld [tilespmem:$0x3120];
	v11 =	vadd.s32 v12, v11  }
0xff: {  	v12 =	vld [tilespmem:$0x30A0];
	v11 =	vadd.s32 v13, v11  }
0x100: {  	v13 =	vld [tilespmem:$0x3110];
	v11 =	vshll.u32 v11, $0x7  }
0x101: {  	v20 =	vld [tilespmem:$0x3020];
	v17 =	vadd.s32 v18, v17  }
0x102: {  	v18 =	vld [tilespmem:$0x3190];
	v15 =	vadd.s32 v15, v17  }
0x103: {  	v17 =	vld [tilespmem:$0x3090];
	v15 =	vadd.s32 v16, v15  }
0x104: {  	s18 =	sadd.s32 s21, s5;
	v16 =	vld [tilespmem:$0x3010];
	v15 =	vshll.u32 v15, $0x7  }
0x105: {  	s19 =	sadd.s32 $0xFFFF6000, s17;
	s20 =	smov.u32 s16;
	s18 =	sadd.s32 $0xFFFFFFFF, s18;
	v21 =	vld [tilespmem:$0x3080]  }
0x106: {  	vm4 =	vmmov vm0;
	vm5 =	vmmov vm0;
	p2 =	slt.u32 s18, $0x10;
	p3 =	sgt.u32 s18, $0xEF;
	s18 =	sadd.s32 $0xFFFFF000, s16;
	v22 =	vld [tilespmem:$0x3000];
	v12 =	vadd.s32 v20, v12  }
0x107: {  	s18 =	smov.u32 @p2 s19;
	s20 =	smov.u32 @p3 s17;
	vm4 =	vmneg @p2 vm4;
	vm5 =	vmneg @p3 vm5;
	v20 =	vld [tilespmem:$0x3100];
	v12 =	vadd.s32 v14, v12  }
0x108: {  	s19 =	sor.u32 $0x70, s20;
	v14 =	vld [tilespmem:$0x3180];
	v12 =	vadd.s32 v19, v12  }
0x109: {  	v16 =	vadd.s32 v16, v17;
	v17 =	vld [tilespmem:$0x30C0]  }
0x10a: {  	v13 =	vadd.s32 v13, v16;
	v16 =	vld [tilespmem:$0x3040]  }
0x10b: {  	v19 =	vadd.s32 v22, v21;
	v13 =	vadd.s32 v18, v13;
	v18 =	vld [tilespmem:$0x3140]  }
0x10c: {  	vm4 =	vmand vm4, vm1;
	v19 =	vadd.s32 v20, v19;
	v13 =	vshll.u32 v13, $0x7;
	v20 =	vld [tilespmem:$0x31C0]  }
0x10d: {  	v14 =	vadd.s32 v14, v19;
	v13 =	vor.u32 v4, v13;
	v19 =	vld [tilespmem:$0x30E0]  }
0x10e: {  	vm5 =	vmand vm5, vm3;
	v12 =	vshll.u32 v12, $0x7;
	v14 =	vshll.u32 v14, $0x7;
	v21 =	vld [tilespmem:$0x3060]  }
0x10f: {  	v12 =	vor.u32 v5, v12;
	v14 =	vor.u32 v3, v14;
	v16 =	vadd.s32 v16, v17;
	v17 =	vld [tilespmem:$0x3160]  }
0x110: {  	vm6 =	vgt.s32 v14, v13;
	v16 =	vadd.s32 v18, v16;
	v18 =	vld [tilespmem:$0x31E0]  }
0x111: {  	v13 =	vsel vm6, v14, v13;
	v14 =	vor.u32 v6, v15;
	v15 =	vadd.s32 v20, v16;
	v16 =	vld [tilespmem:$0x30F0]  }
0x112: {  	vm6 =	vgt.s32 v13, v12;
	v15 =	vshll.u32 v15, $0x7;
	v20 =	vld [tilespmem:$0x3070]  }
0x113: {  	v12 =	vsel vm6, v13, v12;
	v13 =	vor.u32 v7, v15;
	v15 =	vadd.s32 v21, v19;
	v19 =	vld [tilespmem:$0x3170]  }
0x114: {  	vm6 =	vgt.s32 v12, v14;
	v15 =	vadd.s32 v17, v15;
	v17 =	vld [tilespmem:$0x31F0]  }
0x115: {  	v11 =	vor.u32 v8, v11;
	v12 =	vsel vm6, v12, v14;
	v14 =	vadd.s32 v18, v15  }
0x116: {  	vm6 =	vgt.s32 v12, v13;
	v14 =	vshll.u32 v14, $0x7  }
0x117: {  	s22 =	sor.u32 $0x10, s18;
	v12 =	vsel vm6, v12, v13;
	v13 =	vor.u32 v9, v14;
	v14 =	vadd.s32 v20, v16  }
0x118: {  	s23 =	sor.u32 $0x10, s20;
	vm6 =	vgt.s32 v12, v11;
	v14 =	vadd.s32 v19, v14  }
0x119: {  	s24 =	sor.u32 $0x20, s18;
	v11 =	vsel vm6, v12, v11;
	v12 =	vadd.s32 v17, v14  }
0x11a: {  	s25 =	sor.u32 $0x20, s20;
	vm6 =	vgt.s32 v11, v13;
	v12 =	vshll.u32 v12, $0x7  }
0x11b: {  	s26 =	sor.u32 $0x30, s18;
	v11 =	vsel vm6, v11, v13;
	v12 =	vor.u32 v10, v12  }
0x11c: {  	s28 =	sor.u32 $0x30, s20;
	vm6 =	vgt.s32 v11, v12  }
0x11d: {  	v11 =	vsel vm6, v11, v12  }
0x11e: {  	s29 =	sor.u32 $0x40, s18;
	(xrf1) =	vsort.ascd.msk.u32 $0xffff, v11, v11;
	_ =	sdelay $0xa  }
0x11f: {  	v11 =	vmov s14;
	s14 =	smov.u32 s21;
	_ =	sdelay $0x2  }
0x120: {  	v12, _, _ =	vpop (xrf1)  }
0x121: {  	v12 =	vandn.u32 $0x7F, v12  }
0x122: {  	[tilespmem:v11+s12+$0x0] =	vst.idx.msk vm3, v12  }
0x123: {  	v11 =	vld [tilespmem:s20+$0xFFFFFFF0]  }
0x124: {  	v12 =	vld [tilespmem:s18+$0x80]  }
0x125: {  	v13 =	vld [tilespmem:s18+$0x0]  }
0x126: {  	v14 =	vld [tilespmem:s19+$0x0];
	_ =	sdelay $0x1  }
0x127: {  	v11 =	vadd.s32 $0x100, v11  }
0x128: {  	v12 =	vadd.s32 $0x80, v12;
	_ =	sdelay $0x1  }
0x129: {  	v14 =	vadd.s32 $0x180, v14;
	_ =	sdelay $0x1  }
0x12a: {  	[tilespmem:v13+s11+$0x0] =	vst.idx.add.s32.msk vm4, v2  }
0x12b: {  	[tilespmem:v12+s11+$0x0] =	vst.idx.add.s32.msk vm4, v1  }
0x12c: {  	[tilespmem:v11+s11+$0x0] =	vst.idx.add.s32.msk vm5, v2  }
0x12d: {  	[tilespmem:v14+s11+$0x0] =	vst.idx.add.s32.msk vm5, v1  }
0x12e: {  	v11 =	vld [tilespmem:s18+$0x0]  }
0x12f: {  	v12 =	vld [tilespmem:s20+$0x0]  }
0x130: {  	v13 =	vld [tilespmem:s22+$0x0]  }
0x131: {  	v14 =	vld [tilespmem:s23+$0x0]  }
0x132: {  	v15 =	vld [tilespmem:s24+$0x0]  }
0x133: {  	v16 =	vld [tilespmem:s25+$0x0];
	(xrf1) =	vunique.msk.u32 $0xffff, v11  }
0x134: {  	v17 =	vld [tilespmem:s26+$0x0];
	(xrf1) =	vunique.msk.u32 $0xffff, v12  }
0x135: {  	v18 =	vld [tilespmem:s28+$0x0];
	(xrf1) =	vunique.msk.u32 $0xffff, v13  }
0x136: {  	s21 =	sor.u32 $0x40, s20;
	v19 =	vld [tilespmem:s29+$0x0];
	(xrf1) =	vunique.msk.u32 $0xffff, v14  }
0x137: {  	v20 =	vld [tilespmem:s21+$0x0];
	s21 =	sor.u32 $0x50, s18;
	(xrf1) =	vunique.msk.u32 $0xffff, v15  }
0x138: {  	v21 =	vld [tilespmem:s21+$0x0];
	s21 =	sor.u32 $0x50, s20;
	(xrf1) =	vunique.msk.u32 $0xffff, v16  }
0x139: {  	v22 =	vld [tilespmem:s21+$0x0];
	s21 =	sor.u32 $0x60, s18;
	(xrf1) =	vunique.msk.u32 $0xffff, v17  }
0x13a: {  	s20 =	sor.u32 $0x60, s20;
	v23 =	vld [tilespmem:s21+$0x0];
	(xrf1) =	vunique.msk.u32 $0xffff, v18  }
0x13b: {  	s18 =	sor.u32 $0x70, s18;
	v24 =	vld [tilespmem:s20+$0x0];
	(xrf1) =	vunique.msk.u32 $0xffff, v19  }
0x13c: {  	v25 =	vld [tilespmem:s18+$0x0];
	(xrf1) =	vunique.msk.u32 $0xffff, v20  }
0x13d: {  	v26 =	vld [tilespmem:s19+$0x0];
	(xrf1) =	vunique.msk.u32 $0xffff, v21  }
0x13e: {  	(xrf1) =	vunique.msk.u32 $0xffff, v22  }
0x13f: {  	(xrf1) =	vunique.msk.u32 $0xffff, v23  }
0x140: {  	(xrf1) =	vunique.msk.u32 $0xffff, v24  }
0x141: {  	_, v27, vm4 =	vpop (xrf1);
	(xrf1) =	vunique.msk.u32 $0xffff, v25  }
0x142: {  	_, v28, vm5 =	vpop (xrf1);
	(xrf1) =	vunique.msk.u32 $0xffff, v26  }
0x143: {  	v12 =	vadd.s32 $0x80, v12;
	_, v29, vm6 =	vpop (xrf1)  }
0x144: {  	v13 =	vadd.s32 $0x100, v13;
	_, v30, vm7 =	vpop (xrf1)  }
0x145: {  	v14 =	vadd.s32 $0x180, v14;
	_, v31, vm8 =	vpop (xrf1)  }
0x146: {  	v33 =	vsub.s32 $0x0, v27;
	_, v32, vm9 =	vpop (xrf1)  }
0x147: {  	[tilespmem:v11+s11+$0x0] =	vst.idx.add.s32.msk vm4, v33;
	v11 =	vadd.s32 $0x80, v16;
	_, v16, vm4 =	vpop (xrf1)  }
0x148: {  	v17 =	vadd.s32 $0x100, v17;
	[tilespmem:v12+s11+$0x0] =	vst.idx.add.s32.msk vm5, v28;
	v12 =	vsub.s32 $0x0, v29;
	_, v27, vm5 =	vpop (xrf1)  }
0x149: {  	[tilespmem:v13+s11+$0x0] =	vst.idx.add.s32.msk vm6, v12;
	v12 =	vadd.s32 $0x180, v18;
	_, v13, vm6 =	vpop (xrf1)  }
0x14a: {  	[tilespmem:v14+s11+$0x0] =	vst.idx.add.s32.msk vm7, v30;
	v14 =	vsub.s32 $0x0, v31;
	_, v18, vm7 =	vpop (xrf1)  }
0x14b: {  	[tilespmem:v15+s11+$0x0] =	vst.idx.add.s32.msk vm8, v14;
	v14 =	vadd.s32 $0x80, v20;
	_, v15, vm8 =	vpop (xrf1)  }
0x14c: {  	[tilespmem:v11+s11+$0x0] =	vst.idx.add.s32.msk vm9, v32;
	v11 =	vsub.s32 $0x0, v16;
	v16 =	vadd.s32 $0x100, v21;
	_, v20, vm9 =	vpop (xrf1)  }
0x14d: {  	[tilespmem:v17+s11+$0x0] =	vst.idx.add.s32.msk vm4, v11;
	v11 =	vadd.s32 $0x180, v22;
	_, v17, vm4 =	vpop (xrf1)  }
0x14e: {  	[tilespmem:v12+s11+$0x0] =	vst.idx.add.s32.msk vm5, v27;
	v12 =	vsub.s32 $0x0, v13;
	_, v13, vm5 =	vpop (xrf1)  }
0x14f: {  	[tilespmem:v19+s11+$0x0] =	vst.idx.add.s32.msk vm6, v12;
	v12 =	vadd.s32 $0x80, v24;
	_, v19, vm6 =	vpop (xrf1)  }
0x150: {  	[tilespmem:v14+s11+$0x0] =	vst.idx.add.s32.msk vm7, v18;
	v14 =	vsub.s32 $0x0, v15;
	v15 =	vadd.s32 $0x100, v25;
	_, v18, vm7 =	vpop (xrf1)  }
0x151: {  	[tilespmem:v16+s11+$0x0] =	vst.idx.add.s32.msk vm8, v14;
	v14 =	vadd.s32 $0x180, v26  }
.Ltmp1:
0x152: {  	[tilespmem:v11+s11+$0x0] =	vst.idx.add.s32.msk vm9, v20;
	v11 =	vsub.s32 $0x0, v17;
	(pc) =	sbr.rel @p1 .LBB2_4-.Ltmp1, $4  }
0x153: {  	[tilespmem:v23+s11+$0x0] =	vst.idx.add.s32.msk vm4, v11  }
0x154: {  	v11 =	vsub.s32 $0x0, v19;
	[tilespmem:v12+s11+$0x0] =	vst.idx.add.s32.msk vm5, v13  }
0x155: {  	[tilespmem:v15+s11+$0x0] =	vst.idx.add.s32.msk vm6, v11  }
0x156: {  	[tilespmem:v14+s11+$0x0] =	vst.idx.add.s32.msk vm7, v18  }
0x157: {  	v11 =	vld [tilespmem:$0x30D0]  }
0x158: {  	v12 =	vld [tilespmem:$0x3150]  }
0x159: {  	v13 =	vld [tilespmem:$0x31D0]  }
0x15a: {  	v14 =	vld [tilespmem:$0x3050]  }
0x15b: {  	v15 =	vld [tilespmem:$0x3130]  }
0x15c: {  	v16 =	vld [tilespmem:$0x31B0]  }
0x15d: {  	v17 =	vld [tilespmem:$0x30B0]  }
0x15e: {  	v18 =	vld [tilespmem:$0x3030]  }
0x15f: {  	v20 =	vld [tilespmem:$0x3120]  }
0x160: {  	v21 =	vld [tilespmem:$0x30A0]  }
0x161: {  	v22 =	vld [tilespmem:$0x3110]  }
0x162: {  	v23 =	vld [tilespmem:$0x3020]  }
0x163: {  	v24 =	vld [tilespmem:$0x3190]  }
0x164: {  	v25 =	vld [tilespmem:$0x3090]  }
0x165: {  	v26 =	vld [tilespmem:$0x3010]  }
0x166: {  	v27 =	vld [tilespmem:$0x3080]  }
0x167: {  	v28 =	vld [tilespmem:$0x3000]  }
0x168: {  	v29 =	vld [tilespmem:$0x3100]  }
0x169: {  	v40 =	vld [tilespmem:$0x3180]  }
0x16a: {  	v41 =	vld [tilespmem:$0x30C0]  }
0x16b: {  	v42 =	vld [tilespmem:$0x3040]  }
0x16c: {  	v19 =	vld [tilespmem:$0x31A0];
	v11 =	vadd.s32 v14, v11;
	v17 =	vadd.s32 v18, v17;
	v43 =	vadd.s32 v26, v25  }
0x16d: {  	v45 =	vld [tilespmem:$0x3140];
	v44 =	vadd.s32 v28, v27;
	v21 =	vadd.s32 v23, v21;
	v11 =	vadd.s32 v12, v11  }
0x16e: {  	v48 =	vld [tilespmem:$0x31C0];
	v15 =	vadd.s32 v15, v17;
	v46 =	vadd.s32 v22, v43;
	v47 =	vadd.s32 v29, v44  }
0x16f: {  	v49 =	vld [tilespmem:$0x30E0];
	v20 =	vadd.s32 v20, v21;
	v17 =	vadd.s32 v24, v46;
	v14 =	vadd.s32 v40, v47  }
0x170: {  	v50 =	vld [tilespmem:$0x3060];
	v12 =	vadd.s32 v42, v41;
	v17 =	vshll.u32 v17, $0x7;
	v14 =	vshll.u32 v14, $0x7  }
0x171: {  	v55 =	vld [tilespmem:$0x30F0];
	v19 =	vadd.s32 v19, v20;
	v17 =	vor.u32 v4, v17;
	v14 =	vor.u32 v3, v14  }
0x172: {  	v56 =	vld [tilespmem:$0x3070];
	v11 =	vadd.s32 v13, v11;
	v52 =	vshll.u32 v19, $0x7;
	vm4 =	vgt.s32 v14, v17  }
0x173: {  	v51 =	vld [tilespmem:$0x3160];
	v15 =	vadd.s32 v16, v15;
	v54 =	vor.u32 v5, v52;
	v14 =	vsel vm4, v14, v17  }
0x174: {  	v53 =	vld [tilespmem:$0x31E0];
	v12 =	vadd.s32 v45, v12;
	v15 =	vshll.u32 v15, $0x7;
	vm4 =	vgt.s32 v14, v54  }
0x175: {  	v57 =	vld [tilespmem:$0x3170];
	v12 =	vadd.s32 v48, v12;
	v15 =	vor.u32 v6, v15;
	v13 =	vsel vm4, v14, v54  }
0x176: {  	v58 =	vld [tilespmem:$0x31F0];
	v18 =	vadd.s32 v50, v49;
	v12 =	vshll.u32 v12, $0x7;
	vm4 =	vgt.s32 v13, v15  }
0x177: {  	v60 =	vadd.s32 v56, v55;
	v12 =	vor.u32 v7, v12;
	v13 =	vsel vm4, v13, v15  }
0x178: {  	v59 =	vadd.s32 v51, v18;
	v11 =	vshll.u32 v11, $0x7;
	vm4 =	vgt.s32 v13, v12  }
0x179: {  	v11 =	vor.u32 v8, v11;
	v15 =	vadd.s32 v53, v59;
	v12 =	vsel vm4, v13, v12  }
0x17a: {  	v15 =	vshll.u32 v15, $0x7;
	v13 =	vadd.s32 v57, v60;
	vm4 =	vgt.s32 v12, v11  }
0x17b: {  	v61 =	vor.u32 v9, v15;
	v62 =	vadd.s32 v58, v13;
	v11 =	vsel vm4, v12, v11  }
0x17c: {  	v12 =	vshll.u32 v62, $0x7;
	vm4 =	vgt.s32 v11, v61  }
0x17d: {  	v12 =	vor.u32 v10, v12;
	v11 =	vsel vm4, v11, v61  }
0x17e: {  	vm4 =	vgt.s32 v11, v12  }
0x17f: {  	v11 =	vsel vm4, v11, v12  }
0x180: {  	(xrf1) =	vsort.ascd.msk.u32 $0xffff, v11, v11;
	_ =	sdelay $0xa  }
0x181: {  	v11 =	vmov s14;
	_ =	sdelay $0x2  }
0x182: {  	v63, _, _ =	vpop (xrf1)  }
0x183: {  	v12 =	vandn.u32 $0x7F, v63  }
0x184: {  	s13 =	sadd.s32 $0x1, s13;
	[tilespmem:v11+s12+$0x0] =	vst.idx.msk vm3, v12  }
0x185: {  	p1 =	sne.s32 s13, s8;
	_ =	sdelay $0x7ff  }
.Ltmp2:
0x186: {  	_ =	sdelay $0xaf;
	(pc) =	sbr.rel @p1 .LBB2_1-.Ltmp2, $4  }
0x187: {  	[hbm4b:s6+s2] =	stream.linear.scatter [tilespmem:s12], [sflag:$0x1], $0x80, $0x38;
	[tilespmem:$0x3280] =	vst v63  }
0x188: {  	_ =	swait.ge [sflag:s3], $0x80  }
0x189: {  	[sflag:s3] =	ssyncset.done $0x0  }
0x18a: {  	[sflag:s3] =	ssyncadd.s32 $0xFFFFFF80  }
0x18b: {  	_ =	sfence.sel $0x180000  }
0x18c: {  	[bflag:$0x0] =	sbarrier.arrive $0xFFFF  }
0x18d: {  	p0 =	sne.s32 s0, $0x0;
	_ =	strace $0x90000047  }
0x18e: {  	s0 =	sadd.s32 @!p0 $0x100000, s1;
	[bflag:$0x2] =	sbarrier.arrive $0xFFFF  }
0x18f: {  	[sflag:s0] =	ssyncadd.tile.s32 @!p0 $0x1;
	_ =	shalt  }
.Lfunc_end2:
_tile_overlayer_lowered:
.L_overlay_start_2:
0x190: {  	(tag) =	ssettag $0x2  }
0x191: {  	s0 =	rddreg [dreg:$0x0];
	s2 =	stileid.u32  }
0x192: {  	s1 =	rddreg [dreg:$0x1];
	p0 =	sne.s32 s2, $0x0  }
0x193: {  	s3 =	rddreg [dreg:$0x2];
	[bflag:$0x3] =	sbarrier.arrive $0xFFFF;
	s2 =	simm.s32 @!p0 $0x1C01  }
0x194: {  	[timem:s3], [sflag:s2] =	dma.local @!p0 [hbm:s0], s1  }
0x195: {  	s0 =	simm.s32 @!p0 $0x1  }
0x196: {  	_ =	swait.ge @!p0 [sflag:s0], s1  }
0x197: {  	s1 =	ssub.s32 @!p0 $0x0, s1;
	[sflag:s0] =	ssyncset.done @!p0 $0x0  }
0x198: {  	[sflag:s0] =	ssyncadd.s32 @!p0 s1  }
0x199: {  	[bflag:$0x3] =	sbarrier.arrive $0xFFFF  }
0x19a: {  	_ =	shalt  }

</sc_bundles>
